<compile_context>
chip_gen: v7x
topology: tpu7x:2x2x1
jax: 0.10.2.dev20260603
libtpu: 0.0.44.dev20260713+nightly
codegen_flags: <defaults>
</compile_context>

<pallas_src>
import functools

import jax
import jax.numpy as jnp
from jax import lax
from jax.experimental import pallas as pl
from jax.experimental.pallas import tpu as pltpu
from jax.experimental.pallas import tpu_sc as plsc

B, Ts, Tw = 32, 128, 20
CHAR_V, WORD_V, F, C = 100, 100000, 32, 15
CE_DIM, WE_DIM, GE = 32, 300, 16
CH_H, WH = 512, 512
BT = B * Ts
NCHARS = BT * Tw
WE_SC = 256
WE_TAIL = WE_DIM - WE_SC
C_PAD = 16

_NC, _NS = 2, 16
NW = _NC * _NS
BT_PER_W = BT // NW
CH_PER_W = NCHARS // NW
CH_CHUNK = 128
N_CHUNKS = CH_PER_W // CH_CHUNK

@functools.cache
def _sc_kernels():
    mesh = plsc.VectorSubcoreMesh(core_axis_name="c", subcore_axis_name="s")
    cparams = pltpu.CompilerParams(use_tc_tiling_on_sc=False,
                                   needs_layout_passes=False)
    cparams_tc = pltpu.CompilerParams(needs_layout_passes=False)

    @functools.partial(
        pl.kernel,
        mesh=mesh,
        out_type=jax.ShapeDtypeStruct((BT, WE_SC), jnp.float32),
        scratch_types=[
            pltpu.VMEM((BT_PER_W,), jnp.int32),
            pltpu.VMEM((BT_PER_W, WE_SC), jnp.float32),
            pltpu.SemaphoreType.DMA,
        ],
        compiler_params=cparams_tc,
    )
    def sc_gather_we(table_hbm, idx_hbm, out_hbm, idx_v, rows_v, sem):
        wid = lax.axis_index("s") * _NC + lax.axis_index("c")
        base = wid * BT_PER_W
        pltpu.sync_copy(idx_hbm.at[pl.ds(base, BT_PER_W)], idx_v)
        cps = [
            pltpu.async_copy(table_hbm.at[idx_v, pl.ds(0, 128)],
                             rows_v.at[:, pl.ds(0, 128)], sem),
            pltpu.async_copy(table_hbm.at[idx_v, pl.ds(128, 128)],
                             rows_v.at[:, pl.ds(128, 128)], sem),
        ]
        for cp in cps:
            cp.wait()
        pltpu.sync_copy(rows_v, out_hbm.at[pl.ds(base, BT_PER_W)])

    @functools.partial(
        pl.kernel,
        mesh=mesh,
        out_type=jax.ShapeDtypeStruct((NCHARS, C_PAD), jnp.float32),
        scratch_types=[
            pltpu.VMEM((CH_PER_W,), jnp.int32),
            pltpu.VMEM((BT_PER_W,), jnp.int32),
            pltpu.VMEM((CH_PER_W,), jnp.int32),
            pltpu.VMEM((CH_PER_W, C_PAD), jnp.float32),
            pltpu.SemaphoreType.DMA,
        ],
        compiler_params=cparams,
    )
    def sc_combine(t_hbm, cids_hbm, wl_hbm, out_hbm,
                   cid_v, wl_v, idx_v, rows_v, sem):
        wid = lax.axis_index("s") * _NC + lax.axis_index("c")
        base_bt = wid * BT_PER_W
        base_f = wid * CH_PER_W
        pltpu.sync_copy(cids_hbm.at[pl.ds(base_f, CH_PER_W)], cid_v)
        pltpu.sync_copy(wl_hbm.at[pl.ds(base_bt, BT_PER_W)], wl_v)

        def body(i, carry):
            cid = cid_v[pl.ds(i * 16, 16)]
            idx_v[pl.ds(i * 16, 16)] = BT + cid
            return carry

        lax.fori_loop(0, CH_PER_W // 16, body, 0)

        def body2(i, carry):
            bt_l = lax.iota(jnp.int32, 16) + i * 16
            lw = wl_v[pl.ds(i * 16, 16)]
            hitpos = bt_l * Tw + jnp.maximum(lw - 1, 0)
            plsc.store_scatter(idx_v, [hitpos], base_bt + bt_l, mask=lw > 0)
            return carry

        lax.fori_loop(0, BT_PER_W // 16, body2, 0)

        copies = []
        for j in range(N_CHUNKS):
            copies.append(pltpu.async_copy(
                t_hbm.at[idx_v.at[pl.ds(j * CH_CHUNK, CH_CHUNK)]],
                rows_v.at[pl.ds(j * CH_CHUNK, CH_CHUNK)],
                sem,
            ))
        for cp in copies:
            cp.wait()
        pltpu.sync_copy(rows_v, out_hbm.at[pl.ds(base_f, CH_PER_W)])

    return sc_gather_we, sc_combine


TB = 512
GRID = BT // TB


def _tc_body(we_ref, wet_ref, posf_ref, g_ref, n_ref, p_ref,
             ct_ref, w1_ref, b1_ref, w2_ref, b2_ref,
             wcwa_ref, wcwb_ref, wcf_ref, wcg_ref, wcn_ref, wcp_ref, bc_ref,
             wo_ref, bo_ref, gt_ref, nt_ref, pt_ref,
             upd_ref, lch_ref):
    f32 = jnp.float32

    def pad_c(x):
        return jnp.concatenate(
            [x, jnp.zeros((x.shape[0], C_PAD - C), f32)], axis=1)

    ch_h = jnp.tanh(jnp.dot(ct_ref[...], w1_ref[...],
                            preferred_element_type=f32) + b1_ref[...])
    lch_ref[...] = pad_c(jnp.dot(ch_h, w2_ref[...],
                                 preferred_element_type=f32) + b2_ref[...])
    mg = jnp.dot(gt_ref[...], wcg_ref[...], preferred_element_type=f32)
    mn = jnp.dot(nt_ref[...], wcn_ref[...], preferred_element_type=f32)
    mp = jnp.dot(pt_ref[...], wcp_ref[...], preferred_element_type=f32)
    ohg = (g_ref[...] == lax.broadcasted_iota(jnp.int32, (1, 3), 1)).astype(f32)
    ohn = (n_ref[...] == lax.broadcasted_iota(jnp.int32, (1, 3), 1)).astype(f32)
    ohp = (p_ref[...] == lax.broadcasted_iota(jnp.int32, (1, 4), 1)).astype(f32)
    hpre = (jnp.dot(we_ref[...], wcwa_ref[...], preferred_element_type=f32)
            + jnp.dot(wet_ref[...], wcwb_ref[...], preferred_element_type=f32)
            + jnp.dot(posf_ref[...], wcf_ref[...], preferred_element_type=f32)
            + jnp.dot(ohg, mg, preferred_element_type=f32)
            + jnp.dot(ohn, mn, preferred_element_type=f32)
            + jnp.dot(ohp, mp, preferred_element_type=f32)
            + bc_ref[...])
    hc = jnp.tanh(hpre)
    upd_ref[...] = pad_c(jnp.dot(hc, wo_ref[...],
                                 preferred_element_type=f32) + bo_ref[...])


def _full(shape):
    return pl.BlockSpec(shape, lambda i: (0,) * len(shape))


def _tc_ce(we, wet, posf, gid, nid, pid, ct, w1, b1, w2, b2,
           wcwa, wcwb, wcf, wcg, wcn, wcp, bc, wo, bo, gt, nt, pt):
    return pl.pallas_call(
        _tc_body,
        grid=(GRID,),
        in_specs=[
            pl.BlockSpec((TB, WE_SC), lambda i: (i, 0)),
            pl.BlockSpec((TB, WE_TAIL), lambda i: (i, 0)),
            pl.BlockSpec((TB, F), lambda i: (i, 0)),
            pl.BlockSpec((TB, 1), lambda i: (i, 0)),
            pl.BlockSpec((TB, 1), lambda i: (i, 0)),
            pl.BlockSpec((TB, 1), lambda i: (i, 0)),
            _full((CHAR_V, CE_DIM)), _full((CE_DIM, CH_H)), _full((1, CH_H)),
            _full((CH_H, C)), _full((1, C)),
            _full((WE_SC, WH)), _full((WE_TAIL, WH)), _full((F, WH)),
            _full((GE, WH)), _full((GE, WH)), _full((GE, WH)), _full((1, WH)),
            _full((WH, C)), _full((1, C)),
            _full((3, GE)), _full((3, GE)), _full((4, GE)),
        ],
        out_specs=[
            pl.BlockSpec((TB, C_PAD), lambda i: (i, 0)),
            pl.BlockSpec((CHAR_V, C_PAD), lambda i: (0, 0)),
        ],
        out_shape=[
            jax.ShapeDtypeStruct((BT, C_PAD), jnp.float32),
            jax.ShapeDtypeStruct((CHAR_V, C_PAD), jnp.float32),
        ],
    )(we, wet, posf, gid, nid, pid, ct, w1, b1, w2, b2,
      wcwa, wcwb, wcf, wcg, wcn, wcp, bc, wo, bo, gt, nt, pt)


def kernel(word_ids, char_ids, pos_features, gender_ids, number_ids,
           person_ids, word_lengths, char_table, W1, b1, W2, b2,
           word_table, gender_table, number_table, person_table,
           Wc, bc, Wo, bo):
    wid_flat = word_ids.reshape(BT).astype(jnp.int32)
    cids_flat = char_ids.reshape(NCHARS).astype(jnp.int32)
    wl_flat = word_lengths.reshape(BT).astype(jnp.int32)
    posf = pos_features.reshape(BT, F)
    gid = gender_ids.reshape(BT, 1).astype(jnp.int32)
    nid = number_ids.reshape(BT, 1).astype(jnp.int32)
    pid = person_ids.reshape(BT, 1).astype(jnp.int32)

    wcwa = Wc[:WE_SC]
    wcwb = Wc[WE_SC:WE_DIM]
    wcf = Wc[WE_DIM:WE_DIM + F]
    wcg = Wc[WE_DIM + F:WE_DIM + F + GE]
    wcn = Wc[WE_DIM + F + GE:WE_DIM + F + 2 * GE]
    wcp = Wc[WE_DIM + F + 2 * GE:]

    sc_gather_we, sc_combine = _sc_kernels()
    we = sc_gather_we(word_table, wid_flat)
    live = (wid_flat[:1] >= 0).astype(jnp.float32)
    we_full = jnp.take(word_table, wid_flat, axis=0) * live[:, None]
    we_full = jax.lax.optimization_barrier(we_full)
    wet = we_full[:, WE_SC:WE_DIM]

    upd, lch = _tc_ce(
        we, wet, posf, gid, nid, pid, char_table, W1, b1.reshape(1, CH_H), W2,
        b2.reshape(1, C), wcwa, wcwb, wcf, wcg, wcn, wcp, bc.reshape(1, WH),
        Wo, bo.reshape(1, C), gender_table, number_table, person_table)

    t = jnp.concatenate([upd, lch], axis=0)
    out = sc_combine(t, cids_flat, wl_flat)
    return out[:, :C].reshape(B, Ts, Tw, C)

# --- scband reference (transcript-rebuilt; emitter-appended) ---
"""Pipeline reference for scband-abandah-model-36936718746063 (READ-ONLY COPY).

The authoritative reference and input builder live on the scoring server;
editing this copy changes nothing except your own understanding.
"""

import jax, jax.numpy as jnp
import numpy as np

B, Ts, Tw = 32, 128, 20
CHAR_V, WORD_V, F, C = 100, 100000, 32, 15
CE_DIM, WE_DIM, GE = 32, 300, 16
CH_H, WH = 512, 512  # bidirectional LSTM hidden (2*256) approximated by dense encoder


def setup_inputs(seed: int = 0):
    key = jax.random.key(seed)
    ks = jax.random.split(key, 20)
    inp = {}
    inp["word_ids"] = jax.random.randint(ks[0], (B, Ts), 0, WORD_V)
    inp["char_ids"] = jax.random.randint(ks[1], (B, Ts, Tw), 0, CHAR_V)
    inp["pos_features"] = jax.random.normal(ks[2], (B, Ts, F), dtype=jnp.float32)
    inp["gender_ids"] = jax.random.randint(ks[3], (B, Ts), 0, 3)
    inp["number_ids"] = jax.random.randint(ks[4], (B, Ts), 0, 3)
    inp["person_ids"] = jax.random.randint(ks[5], (B, Ts), 0, 4)
    inp["word_lengths"] = jax.random.randint(ks[6], (B, Ts), 0, Tw)
    # CW model params (char embedding + encoder + classifier)
    inp["char_table"] = jax.random.normal(ks[7], (CHAR_V, CE_DIM), dtype=jnp.float32) * 0.02
    inp["W1"] = jax.random.normal(ks[8], (CE_DIM, CH_H), dtype=jnp.float32) * 0.02
    inp["b1"] = jnp.zeros((CH_H,), dtype=jnp.float32)
    inp["W2"] = jax.random.normal(ks[9], (CH_H, C), dtype=jnp.float32) * 0.02
    inp["b2"] = jnp.zeros((C,), dtype=jnp.float32)
    # CE model params (word embedding + morph feature embeddings + encoder + classifier)
    inp["word_table"] = jax.random.normal(ks[10], (WORD_V, WE_DIM), dtype=jnp.float32) * 0.02
    inp["gender_table"] = jax.random.normal(ks[11], (3, GE), dtype=jnp.float32) * 0.02
    inp["number_table"] = jax.random.normal(ks[12], (3, GE), dtype=jnp.float32) * 0.02
    inp["person_table"] = jax.random.normal(ks[13], (4, GE), dtype=jnp.float32) * 0.02
    inp["Wc"] = jax.random.normal(ks[14], (WE_DIM + F + 3 * GE, WH), dtype=jnp.float32) * 0.02
    inp["bc"] = jnp.zeros((WH,), dtype=jnp.float32)
    inp["Wo"] = jax.random.normal(ks[15], (WH, C), dtype=jnp.float32) * 0.02
    inp["bo"] = jnp.zeros((C,), dtype=jnp.float32)
    return inp


def reference(word_ids, char_ids, pos_features, gender_ids, number_ids, person_ids, word_lengths,
              char_table, W1, b1, W2, b2,
              word_table, gender_table, number_table, person_table, Wc, bc, Wo, bo):
    # CW model: per-char logits (B, Ts, Tw, C)
    ce = jnp.take(char_table, char_ids, axis=0)           # (B, Ts, Tw, CE_DIM)
    h = jnp.tanh(ce @ W1 + b1)                            # (B, Ts, Tw, CH_H)
    cw_logits = h @ W2 + b2                               # (B, Ts, Tw, C)
    # CE model: per-word logits (B, Ts, C)
    we = jnp.take(word_table, word_ids, axis=0)           # (B, Ts, WE_DIM)
    g = jnp.take(gender_table, gender_ids, axis=0)
    n = jnp.take(number_table, number_ids, axis=0)
    p = jnp.take(person_table, person_ids, axis=0)
    feat = jnp.concatenate([we, pos_features, g, n, p], axis=-1)
    hc = jnp.tanh(feat @ Wc + bc)
    ce_logits = hc @ Wo + bo                              # (B, Ts, C)
    # Combine: scatter-overwrite CE logits at the last-char position of each word
    BT = B * Ts
    flat_logits = cw_logits.reshape(BT, Tw, C)
    flat_ce = ce_logits.reshape(BT, C)
    wl = word_lengths.reshape(BT)
    last = jnp.clip(wl - 1, 0, None)
    valid = wl > 0
    batch_idx = jnp.arange(BT)
    cur = flat_logits[batch_idx, last]                    # (BT, C) gather
    upd = jnp.where(valid[:, None], flat_ce, cur)
    flat_logits = flat_logits.at[batch_idx, last].set(upd)  # scatter-overwrite
    return flat_logits.reshape(B, Ts, Tw, C)

if __name__ == "__main__":
    import jax
    _d = setup_inputs()
    print(jax.jit(kernel)(*tuple(_d.values())))

</pallas_src>

<mosaic_0001>
#map = affine_map<(d0, d1) -> (0, 0)>
#map1 = affine_map<(d0, d1) -> (0)>
module attributes {stable_mosaic.version = 14 : i64} {
  func.func @sc_combine(%arg0: i32, %arg1: i32, %arg2: memref<4196x16xf32, #tpu.memory_space<hbm>>, %arg3: memref<81920xi32, #tpu.memory_space<hbm>>, %arg4: memref<4096xi32, #tpu.memory_space<hbm>>, %arg5: memref<81920x16xf32, #tpu.memory_space<hbm>>, %arg6: memref<2560xi32, #tpu.memory_space<vmem>>, %arg7: memref<128xi32, #tpu.memory_space<vmem>>, %arg8: memref<2560xi32, #tpu.memory_space<vmem>>, %arg9: memref<2560x16xf32, #tpu.memory_space<vmem>>, %arg10: memref<!tpu.dma_semaphore, #tpu.memory_space<semaphore_mem>>) attributes {dimension_semantics = [#tpu.dimension_semantics<core_parallel>, #tpu.dimension_semantics<subcore_parallel>], iteration_bounds = array<i64: 2, 16>, scalar_prefetch = 0 : i64, scratch_operands = 5 : i64, tpu.core_type = #tpu.core_type<sc_vector_subcore>, window_params = [{transform_indices = #map}, {transform_indices = #map1}, {transform_indices = #map1}, {transform_indices = #map}]} {
    %mul3A = arith.constant 2 : i32
    %mul3A_0 = arith.muli %arg1, %mul3A : i32
    %add3A = arith.addi %mul3A_0, %arg0 : i32
    %mul3A_1 = arith.constant 128 : i32
    %mul3A_2 = arith.muli %add3A, %mul3A_1 : i32
    %mul3A_3 = arith.constant 2560 : i32
    %mul3A_4 = arith.muli %add3A, %mul3A_3 : i32
    "tpu.region"() ({
      %run_scoped3A = tpu.sem_alloc : memref<!tpu.dma_semaphore, #tpu.memory_space<semaphore_mem>>
      %dma_start3A_334 = tpu.memref_slice %arg3[%mul3A_4] : memref<81920xi32, #tpu.memory_space<hbm>> -> memref<2560xi32, #tpu.memory_space<hbm>>
      %dma_start3A_335 = tpu.memref_slice %arg3[%mul3A_4] : memref<81920xi32, #tpu.memory_space<hbm>> -> memref<2560xi32, #tpu.memory_space<hbm>>
      tpu.enqueue_dma source(%dma_start3A_335 : memref<2560xi32, #tpu.memory_space<hbm>>) target(%arg6 : memref<2560xi32, #tpu.memory_space<vmem>>) target_semaphore(%run_scoped3A : memref<!tpu.dma_semaphore, #tpu.memory_space<semaphore_mem>>)
      %dma_wait3A_336 = tpu.memref_slice %arg3[%mul3A_4] : memref<81920xi32, #tpu.memory_space<hbm>> -> memref<2560xi32, #tpu.memory_space<hbm>>
      %dma_wait3A_337 = tpu.memref_slice %arg3[%mul3A_4] : memref<81920xi32, #tpu.memory_space<hbm>> -> memref<2560xi32, #tpu.memory_space<hbm>>
      tpu.wait_dma2 semaphore(%run_scoped3A : memref<!tpu.dma_semaphore, #tpu.memory_space<semaphore_mem>>) src(%dma_wait3A_337 : memref<2560xi32, #tpu.memory_space<hbm>>) dst(%arg6 : memref<2560xi32, #tpu.memory_space<vmem>>)
      tpu.yield
    }) : () -> ()
    "tpu.region"() ({
      %run_scoped3A = tpu.sem_alloc : memref<!tpu.dma_semaphore, #tpu.memory_space<semaphore_mem>>
      %dma_start3A_334 = tpu.memref_slice %arg4[%mul3A_2] : memref<4096xi32, #tpu.memory_space<hbm>> -> memref<128xi32, #tpu.memory_space<hbm>>
      %dma_start3A_335 = tpu.memref_slice %arg4[%mul3A_2] : memref<4096xi32, #tpu.memory_space<hbm>> -> memref<128xi32, #tpu.memory_space<hbm>>
      tpu.enqueue_dma source(%dma_start3A_335 : memref<128xi32, #tpu.memory_space<hbm>>) target(%arg7 : memref<128xi32, #tpu.memory_space<vmem>>) target_semaphore(%run_scoped3A : memref<!tpu.dma_semaphore, #tpu.memory_space<semaphore_mem>>)
      %dma_wait3A_336 = tpu.memref_slice %arg4[%mul3A_2] : memref<4096xi32, #tpu.memory_space<hbm>> -> memref<128xi32, #tpu.memory_space<hbm>>
      %dma_wait3A_337 = tpu.memref_slice %arg4[%mul3A_2] : memref<4096xi32, #tpu.memory_space<hbm>> -> memref<128xi32, #tpu.memory_space<hbm>>
      tpu.wait_dma2 semaphore(%run_scoped3A : memref<!tpu.dma_semaphore, #tpu.memory_space<semaphore_mem>>) src(%dma_wait3A_337 : memref<128xi32, #tpu.memory_space<hbm>>) dst(%arg7 : memref<128xi32, #tpu.memory_space<vmem>>)
      tpu.yield
    }) : () -> ()
    %scan3A = arith.constant 0 : i32
    %scan3A_5 = arith.constant 0 : i32
    %scan3A_6 = arith.constant 160 : i32
    %scan3A_7 = arith.addi %scan3A_5, %scan3A_6 : i32
    %scan3A_8 = arith.constant 1 : i32
    scf.for %scan3A_334 = %scan3A_5 to %scan3A_7 step %scan3A_8  : i32 {
      %mul3A_335 = arith.constant 16 : i32
      %mul3A_336 = arith.muli %scan3A_334, %mul3A_335 : i32
      %get3A = arith.index_cast %mul3A_336 : i32 to index
      %get3A_337 = tpu.vector_load %arg6[%get3A] {strides = array<i32>} : memref<2560xi32, #tpu.memory_space<vmem>>, vector<16xi32>,
      %add3A_338 = arith.constant 4096 : i32
      %add3A_339 = vector.broadcast %add3A_338 : i32 to vector<16xi32>
      %add3A_340 = arith.addi %add3A_339, %get3A_337 : vector<16xi32>
      %mul3A_341 = arith.constant 16 : i32
      %mul3A_342 = arith.muli %scan3A_334, %mul3A_341 : i32
      %swap3A = arith.index_cast %mul3A_342 : i32 to index
      %swap3A_343 = tpu.vector_load %arg8[%swap3A] {strides = array<i32>} : memref<2560xi32, #tpu.memory_space<vmem>>, vector<16xi32>,
      tpu.vector_store %arg8[%swap3A], %add3A_340 {strides = array<i32>} : memref<2560xi32, #tpu.memory_space<vmem>>, vector<16xi32>,
    }
    %scan3A_9 = arith.constant 160 : i32
    %scan3A_10 = arith.constant 0 : i32
    %scan3A_11 = arith.constant 0 : i32
    %scan3A_12 = arith.constant 8 : i32
    %scan3A_13 = arith.addi %scan3A_11, %scan3A_12 : i32
    %scan3A_14 = arith.constant 1 : i32
    scf.for %scan3A_334 = %scan3A_11 to %scan3A_13 step %scan3A_14  : i32 {
      %iota3A = tpu.iota {dimensions = array<i32: 0>} : vector<16xi32>
      %mul3A_335 = arith.constant 16 : i32
      %mul3A_336 = arith.muli %scan3A_334, %mul3A_335 : i32
      %add3A_337 = vector.broadcast %mul3A_336 : i32 to vector<16xi32>
      %add3A_338 = arith.addi %iota3A, %add3A_337 : vector<16xi32>
      %mul3A_339 = arith.constant 16 : i32
      %mul3A_340 = arith.muli %scan3A_334, %mul3A_339 : i32
      %get3A = arith.index_cast %mul3A_340 : i32 to index
      %get3A_341 = tpu.vector_load %arg7[%get3A] {strides = array<i32>} : memref<128xi32, #tpu.memory_space<vmem>>, vector<16xi32>,
      %mul3A_342 = arith.constant 20 : i32
      %mul3A_343 = vector.broadcast %mul3A_342 : i32 to vector<16xi32>
      %mul3A_344 = arith.muli %add3A_338, %mul3A_343 : vector<16xi32>
      %sub3A = arith.constant 1 : i32
      %sub3A_345 = vector.broadcast %sub3A : i32 to vector<16xi32>
      %sub3A_346 = arith.subi %get3A_341, %sub3A_345 : vector<16xi32>
      %max3A = arith.constant 0 : i32
      %max3A_347 = vector.broadcast %max3A : i32 to vector<16xi32>
      %max3A_348 = arith.maxsi %sub3A_346, %max3A_347 : vector<16xi32>
      %add3A_349 = arith.addi %mul3A_344, %max3A_348 : vector<16xi32>
      %add3A_350 = vector.broadcast %mul3A_2 : i32 to vector<16xi32>
      %add3A_351 = arith.addi %add3A_350, %add3A_338 : vector<16xi32>
      %gt3A = arith.constant 0 : i32
      %gt3A_352 = vector.broadcast %gt3A : i32 to vector<16xi32>
      %gt3A_353 = arith.cmpi sgt, %get3A_341, %gt3A_352 : vector<16xi32>
      tpu.vector_store_idx %arg8[%add3A_349], %add3A_351 masked %gt3A_353 : memref<2560xi32, #tpu.memory_space<vmem>>[vector<16xi32>], vector<16xi32>, vector<16xi1>
    }
    %scan3A_15 = arith.constant 8 : i32
    %dma_start3A = arith.constant 0 : i32
    %dma_start3A_16 = arith.constant 0 : i32
    %dma_start3A_17 = tpu.memref_slice %arg9[%dma_start3A, %dma_start3A_16] : memref<2560x16xf32, #tpu.memory_space<vmem>> -> memref<128x16xf32, #tpu.memory_space<vmem>>
    %dma_start3A_18 = arith.constant 0 : i32
    %dma_start3A_19 = tpu.memref_slice %arg8[%dma_start3A_18] : memref<2560xi32, #tpu.memory_space<vmem>> -> memref<128xi32, #tpu.memory_space<vmem>>
    %dma_start3A_20 = arith.constant 0 : i32
    %dma_start3A_21 = arith.constant 0 : i32
    %dma_start3A_22 = tpu.memref_slice %arg2[%dma_start3A_20, %dma_start3A_21] : memref<4196x16xf32, #tpu.memory_space<hbm>> -> memref<4196x16xf32, #tpu.memory_space<hbm>>
    tpu.enqueue_indirect_dma source(%dma_start3A_22 : memref<4196x16xf32, #tpu.memory_space<hbm>>) target(%dma_start3A_17 : memref<128x16xf32, #tpu.memory_space<vmem>>) offsets(%dma_start3A_19 : memref<128xi32, #tpu.memory_space<vmem>>) semaphore(%arg10 : memref<!tpu.dma_semaphore, #tpu.memory_space<semaphore_mem>>)
    %dma_start3A_23 = arith.constant 128 : i32
    %dma_start3A_24 = arith.constant 0 : i32
    %dma_start3A_25 = tpu.memref_slice %arg9[%dma_start3A_23, %dma_start3A_24] : memref<2560x16xf32, #tpu.memory_space<vmem>> -> memref<128x16xf32, #tpu.memory_space<vmem>>
    %dma_start3A_26 = arith.constant 128 : i32
    %dma_start3A_27 = tpu.memref_slice %arg8[%dma_start3A_26] : memref<2560xi32, #tpu.memory_space<vmem>> -> memref<128xi32, #tpu.memory_space<vmem>>
    %dma_start3A_28 = arith.constant 0 : i32
    %dma_start3A_29 = arith.constant 0 : i32
    %dma_start3A_30 = tpu.memref_slice %arg2[%dma_start3A_28, %dma_start3A_29] : memref<4196x16xf32, #tpu.memory_space<hbm>> -> memref<4196x16xf32, #tpu.memory_space<hbm>>
    tpu.enqueue_indirect_dma source(%dma_start3A_30 : memref<4196x16xf32, #tpu.memory_space<hbm>>) target(%dma_start3A_25 : memref<128x16xf32, #tpu.memory_space<vmem>>) offsets(%dma_start3A_27 : memref<128xi32, #tpu.memory_space<vmem>>) semaphore(%arg10 : memref<!tpu.dma_semaphore, #tpu.memory_space<semaphore_mem>>)
    %dma_start3A_31 = arith.constant 256 : i32
    %dma_start3A_32 = arith.constant 0 : i32
    %dma_start3A_33 = tpu.memref_slice %arg9[%dma_start3A_31, %dma_start3A_32] : memref<2560x16xf32, #tpu.memory_space<vmem>> -> memref<128x16xf32, #tpu.memory_space<vmem>>
    %dma_start3A_34 = arith.constant 256 : i32
    %dma_start3A_35 = tpu.memref_slice %arg8[%dma_start3A_34] : memref<2560xi32, #tpu.memory_space<vmem>> -> memref<128xi32, #tpu.memory_space<vmem>>
    %dma_start3A_36 = arith.constant 0 : i32
    %dma_start3A_37 = arith.constant 0 : i32
    %dma_start3A_38 = tpu.memref_slice %arg2[%dma_start3A_36, %dma_start3A_37] : memref<4196x16xf32, #tpu.memory_space<hbm>> -> memref<4196x16xf32, #tpu.memory_space<hbm>>
    tpu.enqueue_indirect_dma source(%dma_start3A_38 : memref<4196x16xf32, #tpu.memory_space<hbm>>) target(%dma_start3A_33 : memref<128x16xf32, #tpu.memory_space<vmem>>) offsets(%dma_start3A_35 : memref<128xi32, #tpu.memory_space<vmem>>) semaphore(%arg10 : memref<!tpu.dma_semaphore, #tpu.memory_space<semaphore_mem>>)
    %dma_start3A_39 = arith.constant 384 : i32
    %dma_start3A_40 = arith.constant 0 : i32
    %dma_start3A_41 = tpu.memref_slice %arg9[%dma_start3A_39, %dma_start3A_40] : memref<2560x16xf32, #tpu.memory_space<vmem>> -> memref<128x16xf32, #tpu.memory_space<vmem>>
    %dma_start3A_42 = arith.constant 384 : i32
    %dma_start3A_43 = tpu.memref_slice %arg8[%dma_start3A_42] : memref<2560xi32, #tpu.memory_space<vmem>> -> memref<128xi32, #tpu.memory_space<vmem>>
    %dma_start3A_44 = arith.constant 0 : i32
    %dma_start3A_45 = arith.constant 0 : i32
    %dma_start3A_46 = tpu.memref_slice %arg2[%dma_start3A_44, %dma_start3A_45] : memref<4196x16xf32, #tpu.memory_space<hbm>> -> memref<4196x16xf32, #tpu.memory_space<hbm>>
    tpu.enqueue_indirect_dma source(%dma_start3A_46 : memref<4196x16xf32, #tpu.memory_space<hbm>>) target(%dma_start3A_41 : memref<128x16xf32, #tpu.memory_space<vmem>>) offsets(%dma_start3A_43 : memref<128xi32, #tpu.memory_space<vmem>>) semaphore(%arg10 : memref<!tpu.dma_semaphore, #tpu.memory_space<semaphore_mem>>)
    %dma_start3A_47 = arith.constant 512 : i32
    %dma_start3A_48 = arith.constant 0 : i32
    %dma_start3A_49 = tpu.memref_slice %arg9[%dma_start3A_47, %dma_start3A_48] : memref<2560x16xf32, #tpu.memory_space<vmem>> -> memref<128x16xf32, #tpu.memory_space<vmem>>
    %dma_start3A_50 = arith.constant 512 : i32
    %dma_start3A_51 = tpu.memref_slice %arg8[%dma_start3A_50] : memref<2560xi32, #tpu.memory_space<vmem>> -> memref<128xi32, #tpu.memory_space<vmem>>
    %dma_start3A_52 = arith.constant 0 : i32
    %dma_start3A_53 = arith.constant 0 : i32
    %dma_start3A_54 = tpu.memref_slice %arg2[%dma_start3A_52, %dma_start3A_53] : memref<4196x16xf32, #tpu.memory_space<hbm>> -> memref<4196x16xf32, #tpu.memory_space<hbm>>
    tpu.enqueue_indirect_dma source(%dma_start3A_54 : memref<4196x16xf32, #tpu.memory_space<hbm>>) target(%dma_start3A_49 : memref<128x16xf32, #tpu.memory_space<vmem>>) offsets(%dma_start3A_51 : memref<128xi32, #tpu.memory_space<vmem>>) semaphore(%arg10 : memref<!tpu.dma_semaphore, #tpu.memory_space<semaphore_mem>>)
    %dma_start3A_55 = arith.constant 640 : i32
    %dma_start3A_56 = arith.constant 0 : i32
    %dma_start3A_57 = tpu.memref_slice %arg9[%dma_start3A_55, %dma_start3A_56] : memref<2560x16xf32, #tpu.memory_space<vmem>> -> memref<128x16xf32, #tpu.memory_space<vmem>>
    %dma_start3A_58 = arith.constant 640 : i32
    %dma_start3A_59 = tpu.memref_slice %arg8[%dma_start3A_58] : memref<2560xi32, #tpu.memory_space<vmem>> -> memref<128xi32, #tpu.memory_space<vmem>>
    %dma_start3A_60 = arith.constant 0 : i32
    %dma_start3A_61 = arith.constant 0 : i32
    %dma_start3A_62 = tpu.memref_slice %arg2[%dma_start3A_60, %dma_start3A_61] : memref<4196x16xf32, #tpu.memory_space<hbm>> -> memref<4196x16xf32, #tpu.memory_space<hbm>>
    tpu.enqueue_indirect_dma source(%dma_start3A_62 : memref<4196x16xf32, #tpu.memory_space<hbm>>) target(%dma_start3A_57 : memref<128x16xf32, #tpu.memory_space<vmem>>) offsets(%dma_start3A_59 : memref<128xi32, #tpu.memory_space<vmem>>) semaphore(%arg10 : memref<!tpu.dma_semaphore, #tpu.memory_space<semaphore_mem>>)
    %dma_start3A_63 = arith.constant 768 : i32
    %dma_start3A_64 = arith.constant 0 : i32
    %dma_start3A_65 = tpu.memref_slice %arg9[%dma_start3A_63, %dma_start3A_64] : memref<2560x16xf32, #tpu.memory_space<vmem>> -> memref<128x16xf32, #tpu.memory_space<vmem>>
    %dma_start3A_66 = arith.constant 768 : i32
    %dma_start3A_67 = tpu.memref_slice %arg8[%dma_start3A_66] : memref<2560xi32, #tpu.memory_space<vmem>> -> memref<128xi32, #tpu.memory_space<vmem>>
    %dma_start3A_68 = arith.constant 0 : i32
    %dma_start3A_69 = arith.constant 0 : i32
    %dma_start3A_70 = tpu.memref_slice %arg2[%dma_start3A_68, %dma_start3A_69] : memref<4196x16xf32, #tpu.memory_space<hbm>> -> memref<4196x16xf32, #tpu.memory_space<hbm>>
    tpu.enqueue_indirect_dma source(%dma_start3A_70 : memref<4196x16xf32, #tpu.memory_space<hbm>>) target(%dma_start3A_65 : memref<128x16xf32, #tpu.memory_space<vmem>>) offsets(%dma_start3A_67 : memref<128xi32, #tpu.memory_space<vmem>>) semaphore(%arg10 : memref<!tpu.dma_semaphore, #tpu.memory_space<semaphore_mem>>)
    %dma_start3A_71 = arith.constant 896 : i32
    %dma_start3A_72 = arith.constant 0 : i32
    %dma_start3A_73 = tpu.memref_slice %arg9[%dma_start3A_71, %dma_start3A_72] : memref<2560x16xf32, #tpu.memory_space<vmem>> -> memref<128x16xf32, #tpu.memory_space<vmem>>
    %dma_start3A_74 = arith.constant 896 : i32
    %dma_start3A_75 = tpu.memref_slice %arg8[%dma_start3A_74] : memref<2560xi32, #tpu.memory_space<vmem>> -> memref<128xi32, #tpu.memory_space<vmem>>
    %dma_start3A_76 = arith.constant 0 : i32
    %dma_start3A_77 = arith.constant 0 : i32
    %dma_start3A_78 = tpu.memref_slice %arg2[%dma_start3A_76, %dma_start3A_77] : memref<4196x16xf32, #tpu.memory_space<hbm>> -> memref<4196x16xf32, #tpu.memory_space<hbm>>
    tpu.enqueue_indirect_dma source(%dma_start3A_78 : memref<4196x16xf32, #tpu.memory_space<hbm>>) target(%dma_start3A_73 : memref<128x16xf32, #tpu.memory_space<vmem>>) offsets(%dma_start3A_75 : memref<128xi32, #tpu.memory_space<vmem>>) semaphore(%arg10 : memref<!tpu.dma_semaphore, #tpu.memory_space<semaphore_mem>>)
    %dma_start3A_79 = arith.constant 1024 : i32
    %dma_start3A_80 = arith.constant 0 : i32
    %dma_start3A_81 = tpu.memref_slice %arg9[%dma_start3A_79, %dma_start3A_80] : memref<2560x16xf32, #tpu.memory_space<vmem>> -> memref<128x16xf32, #tpu.memory_space<vmem>>
    %dma_start3A_82 = arith.constant 1024 : i32
    %dma_start3A_83 = tpu.memref_slice %arg8[%dma_start3A_82] : memref<2560xi32, #tpu.memory_space<vmem>> -> memref<128xi32, #tpu.memory_space<vmem>>
    %dma_start3A_84 = arith.constant 0 : i32
    %dma_start3A_85 = arith.constant 0 : i32
    %dma_start3A_86 = tpu.memref_slice %arg2[%dma_start3A_84, %dma_start3A_85] : memref<4196x16xf32, #tpu.memory_space<hbm>> -> memref<4196x16xf32, #tpu.memory_space<hbm>>
    tpu.enqueue_indirect_dma source(%dma_start3A_86 : memref<4196x16xf32, #tpu.memory_space<hbm>>) target(%dma_start3A_81 : memref<128x16xf32, #tpu.memory_space<vmem>>) offsets(%dma_start3A_83 : memref<128xi32, #tpu.memory_space<vmem>>) semaphore(%arg10 : memref<!tpu.dma_semaphore, #tpu.memory_space<semaphore_mem>>)
    %dma_start3A_87 = arith.constant 1152 : i32
    %dma_start3A_88 = arith.constant 0 : i32
    %dma_start3A_89 = tpu.memref_slice %arg9[%dma_start3A_87, %dma_start3A_88] : memref<2560x16xf32, #tpu.memory_space<vmem>> -> memref<128x16xf32, #tpu.memory_space<vmem>>
    %dma_start3A_90 = arith.constant 1152 : i32
    %dma_start3A_91 = tpu.memref_slice %arg8[%dma_start3A_90] : memref<2560xi32, #tpu.memory_space<vmem>> -> memref<128xi32, #tpu.memory_space<vmem>>
    %dma_start3A_92 = arith.constant 0 : i32
    %dma_start3A_93 = arith.constant 0 : i32
    %dma_start3A_94 = tpu.memref_slice %arg2[%dma_start3A_92, %dma_start3A_93] : memref<4196x16xf32, #tpu.memory_space<hbm>> -> memref<4196x16xf32, #tpu.memory_space<hbm>>
    tpu.enqueue_indirect_dma source(%dma_start3A_94 : memref<4196x16xf32, #tpu.memory_space<hbm>>) target(%dma_start3A_89 : memref<128x16xf32, #tpu.memory_space<vmem>>) offsets(%dma_start3A_91 : memref<128xi32, #tpu.memory_space<vmem>>) semaphore(%arg10 : memref<!tpu.dma_semaphore, #tpu.memory_space<semaphore_mem>>)
    %dma_start3A_95 = arith.constant 1280 : i32
    %dma_start3A_96 = arith.constant 0 : i32
    %dma_start3A_97 = tpu.memref_slice %arg9[%dma_start3A_95, %dma_start3A_96] : memref<2560x16xf32, #tpu.memory_space<vmem>> -> memref<128x16xf32, #tpu.memory_space<vmem>>
    %dma_start3A_98 = arith.constant 1280 : i32
    %dma_start3A_99 = tpu.memref_slice %arg8[%dma_start3A_98] : memref<2560xi32, #tpu.memory_space<vmem>> -> memref<128xi32, #tpu.memory_space<vmem>>
    %dma_start3A_100 = arith.constant 0 : i32
    %dma_start3A_101 = arith.constant 0 : i32
    %dma_start3A_102 = tpu.memref_slice %arg2[%dma_start3A_100, %dma_start3A_101] : memref<4196x16xf32, #tpu.memory_space<hbm>> -> memref<4196x16xf32, #tpu.memory_space<hbm>>
    tpu.enqueue_indirect_dma source(%dma_start3A_102 : memref<4196x16xf32, #tpu.memory_space<hbm>>) target(%dma_start3A_97 : memref<128x16xf32, #tpu.memory_space<vmem>>) offsets(%dma_start3A_99 : memref<128xi32, #tpu.memory_space<vmem>>) semaphore(%arg10 : memref<!tpu.dma_semaphore, #tpu.memory_space<semaphore_mem>>)
    %dma_start3A_103 = arith.constant 1408 : i32
    %dma_start3A_104 = arith.constant 0 : i32
    %dma_start3A_105 = tpu.memref_slice %arg9[%dma_start3A_103, %dma_start3A_104] : memref<2560x16xf32, #tpu.memory_space<vmem>> -> memref<128x16xf32, #tpu.memory_space<vmem>>
    %dma_start3A_106 = arith.constant 1408 : i32
    %dma_start3A_107 = tpu.memref_slice %arg8[%dma_start3A_106] : memref<2560xi32, #tpu.memory_space<vmem>> -> memref<128xi32, #tpu.memory_space<vmem>>
    %dma_start3A_108 = arith.constant 0 : i32
    %dma_start3A_109 = arith.constant 0 : i32
    %dma_start3A_110 = tpu.memref_slice %arg2[%dma_start3A_108, %dma_start3A_109] : memref<4196x16xf32, #tpu.memory_space<hbm>> -> memref<4196x16xf32, #tpu.memory_space<hbm>>
    tpu.enqueue_indirect_dma source(%dma_start3A_110 : memref<4196x16xf32, #tpu.memory_space<hbm>>) target(%dma_start3A_105 : memref<128x16xf32, #tpu.memory_space<vmem>>) offsets(%dma_start3A_107 : memref<128xi32, #tpu.memory_space<vmem>>) semaphore(%arg10 : memref<!tpu.dma_semaphore, #tpu.memory_space<semaphore_mem>>)
    %dma_start3A_111 = arith.constant 1536 : i32
    %dma_start3A_112 = arith.constant 0 : i32
    %dma_start3A_113 = tpu.memref_slice %arg9[%dma_start3A_111, %dma_start3A_112] : memref<2560x16xf32, #tpu.memory_space<vmem>> -> memref<128x16xf32, #tpu.memory_space<vmem>>
    %dma_start3A_114 = arith.constant 1536 : i32
    %dma_start3A_115 = tpu.memref_slice %arg8[%dma_start3A_114] : memref<2560xi32, #tpu.memory_space<vmem>> -> memref<128xi32, #tpu.memory_space<vmem>>
    %dma_start3A_116 = arith.constant 0 : i32
    %dma_start3A_117 = arith.constant 0 : i32
    %dma_start3A_118 = tpu.memref_slice %arg2[%dma_start3A_116, %dma_start3A_117] : memref<4196x16xf32, #tpu.memory_space<hbm>> -> memref<4196x16xf32, #tpu.memory_space<hbm>>
    tpu.enqueue_indirect_dma source(%dma_start3A_118 : memref<4196x16xf32, #tpu.memory_space<hbm>>) target(%dma_start3A_113 : memref<128x16xf32, #tpu.memory_space<vmem>>) offsets(%dma_start3A_115 : memref<128xi32, #tpu.memory_space<vmem>>) semaphore(%arg10 : memref<!tpu.dma_semaphore, #tpu.memory_space<semaphore_mem>>)
    %dma_start3A_119 = arith.constant 1664 : i32
    %dma_start3A_120 = arith.constant 0 : i32
    %dma_start3A_121 = tpu.memref_slice %arg9[%dma_start3A_119, %dma_start3A_120] : memref<2560x16xf32, #tpu.memory_space<vmem>> -> memref<128x16xf32, #tpu.memory_space<vmem>>
    %dma_start3A_122 = arith.constant 1664 : i32
    %dma_start3A_123 = tpu.memref_slice %arg8[%dma_start3A_122] : memref<2560xi32, #tpu.memory_space<vmem>> -> memref<128xi32, #tpu.memory_space<vmem>>
    %dma_start3A_124 = arith.constant 0 : i32
    %dma_start3A_125 = arith.constant 0 : i32
    %dma_start3A_126 = tpu.memref_slice %arg2[%dma_start3A_124, %dma_start3A_125] : memref<4196x16xf32, #tpu.memory_space<hbm>> -> memref<4196x16xf32, #tpu.memory_space<hbm>>
    tpu.enqueue_indirect_dma source(%dma_start3A_126 : memref<4196x16xf32, #tpu.memory_space<hbm>>) target(%dma_start3A_121 : memref<128x16xf32, #tpu.memory_space<vmem>>) offsets(%dma_start3A_123 : memref<128xi32, #tpu.memory_space<vmem>>) semaphore(%arg10 : memref<!tpu.dma_semaphore, #tpu.memory_space<semaphore_mem>>)
    %dma_start3A_127 = arith.constant 1792 : i32
    %dma_start3A_128 = arith.constant 0 : i32
    %dma_start3A_129 = tpu.memref_slice %arg9[%dma_start3A_127, %dma_start3A_128] : memref<2560x16xf32, #tpu.memory_space<vmem>> -> memref<128x16xf32, #tpu.memory_space<vmem>>
    %dma_start3A_130 = arith.constant 1792 : i32
    %dma_start3A_131 = tpu.memref_slice %arg8[%dma_start3A_130] : memref<2560xi32, #tpu.memory_space<vmem>> -> memref<128xi32, #tpu.memory_space<vmem>>
    %dma_start3A_132 = arith.constant 0 : i32
    %dma_start3A_133 = arith.constant 0 : i32
    %dma_start3A_134 = tpu.memref_slice %arg2[%dma_start3A_132, %dma_start3A_133] : memref<4196x16xf32, #tpu.memory_space<hbm>> -> memref<4196x16xf32, #tpu.memory_space<hbm>>
    tpu.enqueue_indirect_dma source(%dma_start3A_134 : memref<4196x16xf32, #tpu.memory_space<hbm>>) target(%dma_start3A_129 : memref<128x16xf32, #tpu.memory_space<vmem>>) offsets(%dma_start3A_131 : memref<128xi32, #tpu.memory_space<vmem>>) semaphore(%arg10 : memref<!tpu.dma_semaphore, #tpu.memory_space<semaphore_mem>>)
    %dma_start3A_135 = arith.constant 1920 : i32
    %dma_start3A_136 = arith.constant 0 : i32
    %dma_start3A_137 = tpu.memref_slice %arg9[%dma_start3A_135, %dma_start3A_136] : memref<2560x16xf32, #tpu.memory_space<vmem>> -> memref<128x16xf32, #tpu.memory_space<vmem>>
    %dma_start3A_138 = arith.constant 1920 : i32
    %dma_start3A_139 = tpu.memref_slice %arg8[%dma_start3A_138] : memref<2560xi32, #tpu.memory_space<vmem>> -> memref<128xi32, #tpu.memory_space<vmem>>
    %dma_start3A_140 = arith.constant 0 : i32
    %dma_start3A_141 = arith.constant 0 : i32
    %dma_start3A_142 = tpu.memref_slice %arg2[%dma_start3A_140, %dma_start3A_141] : memref<4196x16xf32, #tpu.memory_space<hbm>> -> memref<4196x16xf32, #tpu.memory_space<hbm>>
    tpu.enqueue_indirect_dma source(%dma_start3A_142 : memref<4196x16xf32, #tpu.memory_space<hbm>>) target(%dma_start3A_137 : memref<128x16xf32, #tpu.memory_space<vmem>>) offsets(%dma_start3A_139 : memref<128xi32, #tpu.memory_space<vmem>>) semaphore(%arg10 : memref<!tpu.dma_semaphore, #tpu.memory_space<semaphore_mem>>)
    %dma_start3A_143 = arith.constant 2048 : i32
    %dma_start3A_144 = arith.constant 0 : i32
    %dma_start3A_145 = tpu.memref_slice %arg9[%dma_start3A_143, %dma_start3A_144] : memref<2560x16xf32, #tpu.memory_space<vmem>> -> memref<128x16xf32, #tpu.memory_space<vmem>>
    %dma_start3A_146 = arith.constant 2048 : i32
    %dma_start3A_147 = tpu.memref_slice %arg8[%dma_start3A_146] : memref<2560xi32, #tpu.memory_space<vmem>> -> memref<128xi32, #tpu.memory_space<vmem>>
    %dma_start3A_148 = arith.constant 0 : i32
    %dma_start3A_149 = arith.constant 0 : i32
    %dma_start3A_150 = tpu.memref_slice %arg2[%dma_start3A_148, %dma_start3A_149] : memref<4196x16xf32, #tpu.memory_space<hbm>> -> memref<4196x16xf32, #tpu.memory_space<hbm>>
    tpu.enqueue_indirect_dma source(%dma_start3A_150 : memref<4196x16xf32, #tpu.memory_space<hbm>>) target(%dma_start3A_145 : memref<128x16xf32, #tpu.memory_space<vmem>>) offsets(%dma_start3A_147 : memref<128xi32, #tpu.memory_space<vmem>>) semaphore(%arg10 : memref<!tpu.dma_semaphore, #tpu.memory_space<semaphore_mem>>)
    %dma_start3A_151 = arith.constant 2176 : i32
    %dma_start3A_152 = arith.constant 0 : i32
    %dma_start3A_153 = tpu.memref_slice %arg9[%dma_start3A_151, %dma_start3A_152] : memref<2560x16xf32, #tpu.memory_space<vmem>> -> memref<128x16xf32, #tpu.memory_space<vmem>>
    %dma_start3A_154 = arith.constant 2176 : i32
    %dma_start3A_155 = tpu.memref_slice %arg8[%dma_start3A_154] : memref<2560xi32, #tpu.memory_space<vmem>> -> memref<128xi32, #tpu.memory_space<vmem>>
    %dma_start3A_156 = arith.constant 0 : i32
    %dma_start3A_157 = arith.constant 0 : i32
    %dma_start3A_158 = tpu.memref_slice %arg2[%dma_start3A_156, %dma_start3A_157] : memref<4196x16xf32, #tpu.memory_space<hbm>> -> memref<4196x16xf32, #tpu.memory_space<hbm>>
    tpu.enqueue_indirect_dma source(%dma_start3A_158 : memref<4196x16xf32, #tpu.memory_space<hbm>>) target(%dma_start3A_153 : memref<128x16xf32, #tpu.memory_space<vmem>>) offsets(%dma_start3A_155 : memref<128xi32, #tpu.memory_space<vmem>>) semaphore(%arg10 : memref<!tpu.dma_semaphore, #tpu.memory_space<semaphore_mem>>)
    %dma_start3A_159 = arith.constant 2304 : i32
    %dma_start3A_160 = arith.constant 0 : i32
    %dma_start3A_161 = tpu.memref_slice %arg9[%dma_start3A_159, %dma_start3A_160] : memref<2560x16xf32, #tpu.memory_space<vmem>> -> memref<128x16xf32, #tpu.memory_space<vmem>>
    %dma_start3A_162 = arith.constant 2304 : i32
    %dma_start3A_163 = tpu.memref_slice %arg8[%dma_start3A_162] : memref<2560xi32, #tpu.memory_space<vmem>> -> memref<128xi32, #tpu.memory_space<vmem>>
    %dma_start3A_164 = arith.constant 0 : i32
    %dma_start3A_165 = arith.constant 0 : i32
    %dma_start3A_166 = tpu.memref_slice %arg2[%dma_start3A_164, %dma_start3A_165] : memref<4196x16xf32, #tpu.memory_space<hbm>> -> memref<4196x16xf32, #tpu.memory_space<hbm>>
    tpu.enqueue_indirect_dma source(%dma_start3A_166 : memref<4196x16xf32, #tpu.memory_space<hbm>>) target(%dma_start3A_161 : memref<128x16xf32, #tpu.memory_space<vmem>>) offsets(%dma_start3A_163 : memref<128xi32, #tpu.memory_space<vmem>>) semaphore(%arg10 : memref<!tpu.dma_semaphore, #tpu.memory_space<semaphore_mem>>)
    %dma_start3A_167 = arith.constant 2432 : i32
    %dma_start3A_168 = arith.constant 0 : i32
    %dma_start3A_169 = tpu.memref_slice %arg9[%dma_start3A_167, %dma_start3A_168] : memref<2560x16xf32, #tpu.memory_space<vmem>> -> memref<128x16xf32, #tpu.memory_space<vmem>>
    %dma_start3A_170 = arith.constant 2432 : i32
    %dma_start3A_171 = tpu.memref_slice %arg8[%dma_start3A_170] : memref<2560xi32, #tpu.memory_space<vmem>> -> memref<128xi32, #tpu.memory_space<vmem>>
    %dma_start3A_172 = arith.constant 0 : i32
    %dma_start3A_173 = arith.constant 0 : i32
    %dma_start3A_174 = tpu.memref_slice %arg2[%dma_start3A_172, %dma_start3A_173] : memref<4196x16xf32, #tpu.memory_space<hbm>> -> memref<4196x16xf32, #tpu.memory_space<hbm>>
    tpu.enqueue_indirect_dma source(%dma_start3A_174 : memref<4196x16xf32, #tpu.memory_space<hbm>>) target(%dma_start3A_169 : memref<128x16xf32, #tpu.memory_space<vmem>>) offsets(%dma_start3A_171 : memref<128xi32, #tpu.memory_space<vmem>>) semaphore(%arg10 : memref<!tpu.dma_semaphore, #tpu.memory_space<semaphore_mem>>)
    %dma_wait3A = arith.constant 0 : i32
    %dma_wait3A_175 = arith.constant 0 : i32
    %dma_wait3A_176 = tpu.memref_slice %arg9[%dma_wait3A, %dma_wait3A_175] : memref<2560x16xf32, #tpu.memory_space<vmem>> -> memref<128x16xf32, #tpu.memory_space<vmem>>
    %dma_wait3A_177 = arith.constant 0 : i32
    %dma_wait3A_178 = tpu.memref_slice %arg8[%dma_wait3A_177] : memref<2560xi32, #tpu.memory_space<vmem>> -> memref<128xi32, #tpu.memory_space<vmem>>
    %dma_wait3A_179 = arith.constant 0 : i32
    %dma_wait3A_180 = arith.constant 0 : i32
    %dma_wait3A_181 = tpu.memref_slice %arg2[%dma_wait3A_179, %dma_wait3A_180] : memref<4196x16xf32, #tpu.memory_space<hbm>> -> memref<4196x16xf32, #tpu.memory_space<hbm>>
    tpu.wait_indirect_dma semaphore(%arg10 : memref<!tpu.dma_semaphore, #tpu.memory_space<semaphore_mem>>) src(%dma_wait3A_181 : memref<4196x16xf32, #tpu.memory_space<hbm>>) dst(%dma_wait3A_176 : memref<128x16xf32, #tpu.memory_space<vmem>>)
    %dma_wait3A_182 = arith.constant 128 : i32
    %dma_wait3A_183 = arith.constant 0 : i32
    %dma_wait3A_184 = tpu.memref_slice %arg9[%dma_wait3A_182, %dma_wait3A_183] : memref<2560x16xf32, #tpu.memory_space<vmem>> -> memref<128x16xf32, #tpu.memory_space<vmem>>
    %dma_wait3A_185 = arith.constant 128 : i32
    %dma_wait3A_186 = tpu.memref_slice %arg8[%dma_wait3A_185] : memref<2560xi32, #tpu.memory_space<vmem>> -> memref<128xi32, #tpu.memory_space<vmem>>
    %dma_wait3A_187 = arith.constant 0 : i32
    %dma_wait3A_188 = arith.constant 0 : i32
    %dma_wait3A_189 = tpu.memref_slice %arg2[%dma_wait3A_187, %dma_wait3A_188] : memref<4196x16xf32, #tpu.memory_space<hbm>> -> memref<4196x16xf32, #tpu.memory_space<hbm>>
    tpu.wait_indirect_dma semaphore(%arg10 : memref<!tpu.dma_semaphore, #tpu.memory_space<semaphore_mem>>) src(%dma_wait3A_189 : memref<4196x16xf32, #tpu.memory_space<hbm>>) dst(%dma_wait3A_184 : memref<128x16xf32, #tpu.memory_space<vmem>>)
    %dma_wait3A_190 = arith.constant 256 : i32
    %dma_wait3A_191 = arith.constant 0 : i32
    %dma_wait3A_192 = tpu.memref_slice %arg9[%dma_wait3A_190, %dma_wait3A_191] : memref<2560x16xf32, #tpu.memory_space<vmem>> -> memref<128x16xf32, #tpu.memory_space<vmem>>
    %dma_wait3A_193 = arith.constant 256 : i32
    %dma_wait3A_194 = tpu.memref_slice %arg8[%dma_wait3A_193] : memref<2560xi32, #tpu.memory_space<vmem>> -> memref<128xi32, #tpu.memory_space<vmem>>
    %dma_wait3A_195 = arith.constant 0 : i32
    %dma_wait3A_196 = arith.constant 0 : i32
    %dma_wait3A_197 = tpu.memref_slice %arg2[%dma_wait3A_195, %dma_wait3A_196] : memref<4196x16xf32, #tpu.memory_space<hbm>> -> memref<4196x16xf32, #tpu.memory_space<hbm>>
    tpu.wait_indirect_dma semaphore(%arg10 : memref<!tpu.dma_semaphore, #tpu.memory_space<semaphore_mem>>) src(%dma_wait3A_197 : memref<4196x16xf32, #tpu.memory_space<hbm>>) dst(%dma_wait3A_192 : memref<128x16xf32, #tpu.memory_space<vmem>>)
    %dma_wait3A_198 = arith.constant 384 : i32
    %dma_wait3A_199 = arith.constant 0 : i32
    %dma_wait3A_200 = tpu.memref_slice %arg9[%dma_wait3A_198, %dma_wait3A_199] : memref<2560x16xf32, #tpu.memory_space<vmem>> -> memref<128x16xf32, #tpu.memory_space<vmem>>
    %dma_wait3A_201 = arith.constant 384 : i32
    %dma_wait3A_202 = tpu.memref_slice %arg8[%dma_wait3A_201] : memref<2560xi32, #tpu.memory_space<vmem>> -> memref<128xi32, #tpu.memory_space<vmem>>
    %dma_wait3A_203 = arith.constant 0 : i32
    %dma_wait3A_204 = arith.constant 0 : i32
    %dma_wait3A_205 = tpu.memref_slice %arg2[%dma_wait3A_203, %dma_wait3A_204] : memref<4196x16xf32, #tpu.memory_space<hbm>> -> memref<4196x16xf32, #tpu.memory_space<hbm>>
    tpu.wait_indirect_dma semaphore(%arg10 : memref<!tpu.dma_semaphore, #tpu.memory_space<semaphore_mem>>) src(%dma_wait3A_205 : memref<4196x16xf32, #tpu.memory_space<hbm>>) dst(%dma_wait3A_200 : memref<128x16xf32, #tpu.memory_space<vmem>>)
    %dma_wait3A_206 = arith.constant 512 : i32
    %dma_wait3A_207 = arith.constant 0 : i32
    %dma_wait3A_208 = tpu.memref_slice %arg9[%dma_wait3A_206, %dma_wait3A_207] : memref<2560x16xf32, #tpu.memory_space<vmem>> -> memref<128x16xf32, #tpu.memory_space<vmem>>
    %dma_wait3A_209 = arith.constant 512 : i32
    %dma_wait3A_210 = tpu.memref_slice %arg8[%dma_wait3A_209] : memref<2560xi32, #tpu.memory_space<vmem>> -> memref<128xi32, #tpu.memory_space<vmem>>
    %dma_wait3A_211 = arith.constant 0 : i32
    %dma_wait3A_212 = arith.constant 0 : i32
    %dma_wait3A_213 = tpu.memref_slice %arg2[%dma_wait3A_211, %dma_wait3A_212] : memref<4196x16xf32, #tpu.memory_space<hbm>> -> memref<4196x16xf32, #tpu.memory_space<hbm>>
    tpu.wait_indirect_dma semaphore(%arg10 : memref<!tpu.dma_semaphore, #tpu.memory_space<semaphore_mem>>) src(%dma_wait3A_213 : memref<4196x16xf32, #tpu.memory_space<hbm>>) dst(%dma_wait3A_208 : memref<128x16xf32, #tpu.memory_space<vmem>>)
    %dma_wait3A_214 = arith.constant 640 : i32
    %dma_wait3A_215 = arith.constant 0 : i32
    %dma_wait3A_216 = tpu.memref_slice %arg9[%dma_wait3A_214, %dma_wait3A_215] : memref<2560x16xf32, #tpu.memory_space<vmem>> -> memref<128x16xf32, #tpu.memory_space<vmem>>
    %dma_wait3A_217 = arith.constant 640 : i32
    %dma_wait3A_218 = tpu.memref_slice %arg8[%dma_wait3A_217] : memref<2560xi32, #tpu.memory_space<vmem>> -> memref<128xi32, #tpu.memory_space<vmem>>
    %dma_wait3A_219 = arith.constant 0 : i32
    %dma_wait3A_220 = arith.constant 0 : i32
    %dma_wait3A_221 = tpu.memref_slice %arg2[%dma_wait3A_219, %dma_wait3A_220] : memref<4196x16xf32, #tpu.memory_space<hbm>> -> memref<4196x16xf32, #tpu.memory_space<hbm>>
    tpu.wait_indirect_dma semaphore(%arg10 : memref<!tpu.dma_semaphore, #tpu.memory_space<semaphore_mem>>) src(%dma_wait3A_221 : memref<4196x16xf32, #tpu.memory_space<hbm>>) dst(%dma_wait3A_216 : memref<128x16xf32, #tpu.memory_space<vmem>>)
    %dma_wait3A_222 = arith.constant 768 : i32
    %dma_wait3A_223 = arith.constant 0 : i32
    %dma_wait3A_224 = tpu.memref_slice %arg9[%dma_wait3A_222, %dma_wait3A_223] : memref<2560x16xf32, #tpu.memory_space<vmem>> -> memref<128x16xf32, #tpu.memory_space<vmem>>
    %dma_wait3A_225 = arith.constant 768 : i32
    %dma_wait3A_226 = tpu.memref_slice %arg8[%dma_wait3A_225] : memref<2560xi32, #tpu.memory_space<vmem>> -> memref<128xi32, #tpu.memory_space<vmem>>
    %dma_wait3A_227 = arith.constant 0 : i32
    %dma_wait3A_228 = arith.constant 0 : i32
    %dma_wait3A_229 = tpu.memref_slice %arg2[%dma_wait3A_227, %dma_wait3A_228] : memref<4196x16xf32, #tpu.memory_space<hbm>> -> memref<4196x16xf32, #tpu.memory_space<hbm>>
    tpu.wait_indirect_dma semaphore(%arg10 : memref<!tpu.dma_semaphore, #tpu.memory_space<semaphore_mem>>) src(%dma_wait3A_229 : memref<4196x16xf32, #tpu.memory_space<hbm>>) dst(%dma_wait3A_224 : memref<128x16xf32, #tpu.memory_space<vmem>>)
    %dma_wait3A_230 = arith.constant 896 : i32
    %dma_wait3A_231 = arith.constant 0 : i32
    %dma_wait3A_232 = tpu.memref_slice %arg9[%dma_wait3A_230, %dma_wait3A_231] : memref<2560x16xf32, #tpu.memory_space<vmem>> -> memref<128x16xf32, #tpu.memory_space<vmem>>
    %dma_wait3A_233 = arith.constant 896 : i32
    %dma_wait3A_234 = tpu.memref_slice %arg8[%dma_wait3A_233] : memref<2560xi32, #tpu.memory_space<vmem>> -> memref<128xi32, #tpu.memory_space<vmem>>
    %dma_wait3A_235 = arith.constant 0 : i32
    %dma_wait3A_236 = arith.constant 0 : i32
    %dma_wait3A_237 = tpu.memref_slice %arg2[%dma_wait3A_235, %dma_wait3A_236] : memref<4196x16xf32, #tpu.memory_space<hbm>> -> memref<4196x16xf32, #tpu.memory_space<hbm>>
    tpu.wait_indirect_dma semaphore(%arg10 : memref<!tpu.dma_semaphore, #tpu.memory_space<semaphore_mem>>) src(%dma_wait3A_237 : memref<4196x16xf32, #tpu.memory_space<hbm>>) dst(%dma_wait3A_232 : memref<128x16xf32, #tpu.memory_space<vmem>>)
    %dma_wait3A_238 = arith.constant 1024 : i32
    %dma_wait3A_239 = arith.constant 0 : i32
    %dma_wait3A_240 = tpu.memref_slice %arg9[%dma_wait3A_238, %dma_wait3A_239] : memref<2560x16xf32, #tpu.memory_space<vmem>> -> memref<128x16xf32, #tpu.memory_space<vmem>>
    %dma_wait3A_241 = arith.constant 1024 : i32
    %dma_wait3A_242 = tpu.memref_slice %arg8[%dma_wait3A_241] : memref<2560xi32, #tpu.memory_space<vmem>> -> memref<128xi32, #tpu.memory_space<vmem>>
    %dma_wait3A_243 = arith.constant 0 : i32
    %dma_wait3A_244 = arith.constant 0 : i32
    %dma_wait3A_245 = tpu.memref_slice %arg2[%dma_wait3A_243, %dma_wait3A_244] : memref<4196x16xf32, #tpu.memory_space<hbm>> -> memref<4196x16xf32, #tpu.memory_space<hbm>>
    tpu.wait_indirect_dma semaphore(%arg10 : memref<!tpu.dma_semaphore, #tpu.memory_space<semaphore_mem>>) src(%dma_wait3A_245 : memref<4196x16xf32, #tpu.memory_space<hbm>>) dst(%dma_wait3A_240 : memref<128x16xf32, #tpu.memory_space<vmem>>)
    %dma_wait3A_246 = arith.constant 1152 : i32
    %dma_wait3A_247 = arith.constant 0 : i32
    %dma_wait3A_248 = tpu.memref_slice %arg9[%dma_wait3A_246, %dma_wait3A_247] : memref<2560x16xf32, #tpu.memory_space<vmem>> -> memref<128x16xf32, #tpu.memory_space<vmem>>
    %dma_wait3A_249 = arith.constant 1152 : i32
    %dma_wait3A_250 = tpu.memref_slice %arg8[%dma_wait3A_249] : memref<2560xi32, #tpu.memory_space<vmem>> -> memref<128xi32, #tpu.memory_space<vmem>>
    %dma_wait3A_251 = arith.constant 0 : i32
    %dma_wait3A_252 = arith.constant 0 : i32
    %dma_wait3A_253 = tpu.memref_slice %arg2[%dma_wait3A_251, %dma_wait3A_252] : memref<4196x16xf32, #tpu.memory_space<hbm>> -> memref<4196x16xf32, #tpu.memory_space<hbm>>
    tpu.wait_indirect_dma semaphore(%arg10 : memref<!tpu.dma_semaphore, #tpu.memory_space<semaphore_mem>>) src(%dma_wait3A_253 : memref<4196x16xf32, #tpu.memory_space<hbm>>) dst(%dma_wait3A_248 : memref<128x16xf32, #tpu.memory_space<vmem>>)
    %dma_wait3A_254 = arith.constant 1280 : i32
    %dma_wait3A_255 = arith.constant 0 : i32
    %dma_wait3A_256 = tpu.memref_slice %arg9[%dma_wait3A_254, %dma_wait3A_255] : memref<2560x16xf32, #tpu.memory_space<vmem>> -> memref<128x16xf32, #tpu.memory_space<vmem>>
    %dma_wait3A_257 = arith.constant 1280 : i32
    %dma_wait3A_258 = tpu.memref_slice %arg8[%dma_wait3A_257] : memref<2560xi32, #tpu.memory_space<vmem>> -> memref<128xi32, #tpu.memory_space<vmem>>
    %dma_wait3A_259 = arith.constant 0 : i32
    %dma_wait3A_260 = arith.constant 0 : i32
    %dma_wait3A_261 = tpu.memref_slice %arg2[%dma_wait3A_259, %dma_wait3A_260] : memref<4196x16xf32, #tpu.memory_space<hbm>> -> memref<4196x16xf32, #tpu.memory_space<hbm>>
    tpu.wait_indirect_dma semaphore(%arg10 : memref<!tpu.dma_semaphore, #tpu.memory_space<semaphore_mem>>) src(%dma_wait3A_261 : memref<4196x16xf32, #tpu.memory_space<hbm>>) dst(%dma_wait3A_256 : memref<128x16xf32, #tpu.memory_space<vmem>>)
    %dma_wait3A_262 = arith.constant 1408 : i32
    %dma_wait3A_263 = arith.constant 0 : i32
    %dma_wait3A_264 = tpu.memref_slice %arg9[%dma_wait3A_262, %dma_wait3A_263] : memref<2560x16xf32, #tpu.memory_space<vmem>> -> memref<128x16xf32, #tpu.memory_space<vmem>>
    %dma_wait3A_265 = arith.constant 1408 : i32
    %dma_wait3A_266 = tpu.memref_slice %arg8[%dma_wait3A_265] : memref<2560xi32, #tpu.memory_space<vmem>> -> memref<128xi32, #tpu.memory_space<vmem>>
    %dma_wait3A_267 = arith.constant 0 : i32
    %dma_wait3A_268 = arith.constant 0 : i32
    %dma_wait3A_269 = tpu.memref_slice %arg2[%dma_wait3A_267, %dma_wait3A_268] : memref<4196x16xf32, #tpu.memory_space<hbm>> -> memref<4196x16xf32, #tpu.memory_space<hbm>>
    tpu.wait_indirect_dma semaphore(%arg10 : memref<!tpu.dma_semaphore, #tpu.memory_space<semaphore_mem>>) src(%dma_wait3A_269 : memref<4196x16xf32, #tpu.memory_space<hbm>>) dst(%dma_wait3A_264 : memref<128x16xf32, #tpu.memory_space<vmem>>)
    %dma_wait3A_270 = arith.constant 1536 : i32
    %dma_wait3A_271 = arith.constant 0 : i32
    %dma_wait3A_272 = tpu.memref_slice %arg9[%dma_wait3A_270, %dma_wait3A_271] : memref<2560x16xf32, #tpu.memory_space<vmem>> -> memref<128x16xf32, #tpu.memory_space<vmem>>
    %dma_wait3A_273 = arith.constant 1536 : i32
    %dma_wait3A_274 = tpu.memref_slice %arg8[%dma_wait3A_273] : memref<2560xi32, #tpu.memory_space<vmem>> -> memref<128xi32, #tpu.memory_space<vmem>>
    %dma_wait3A_275 = arith.constant 0 : i32
    %dma_wait3A_276 = arith.constant 0 : i32
    %dma_wait3A_277 = tpu.memref_slice %arg2[%dma_wait3A_275, %dma_wait3A_276] : memref<4196x16xf32, #tpu.memory_space<hbm>> -> memref<4196x16xf32, #tpu.memory_space<hbm>>
    tpu.wait_indirect_dma semaphore(%arg10 : memref<!tpu.dma_semaphore, #tpu.memory_space<semaphore_mem>>) src(%dma_wait3A_277 : memref<4196x16xf32, #tpu.memory_space<hbm>>) dst(%dma_wait3A_272 : memref<128x16xf32, #tpu.memory_space<vmem>>)
    %dma_wait3A_278 = arith.constant 1664 : i32
    %dma_wait3A_279 = arith.constant 0 : i32
    %dma_wait3A_280 = tpu.memref_slice %arg9[%dma_wait3A_278, %dma_wait3A_279] : memref<2560x16xf32, #tpu.memory_space<vmem>> -> memref<128x16xf32, #tpu.memory_space<vmem>>
    %dma_wait3A_281 = arith.constant 1664 : i32
    %dma_wait3A_282 = tpu.memref_slice %arg8[%dma_wait3A_281] : memref<2560xi32, #tpu.memory_space<vmem>> -> memref<128xi32, #tpu.memory_space<vmem>>
    %dma_wait3A_283 = arith.constant 0 : i32
    %dma_wait3A_284 = arith.constant 0 : i32
    %dma_wait3A_285 = tpu.memref_slice %arg2[%dma_wait3A_283, %dma_wait3A_284] : memref<4196x16xf32, #tpu.memory_space<hbm>> -> memref<4196x16xf32, #tpu.memory_space<hbm>>
    tpu.wait_indirect_dma semaphore(%arg10 : memref<!tpu.dma_semaphore, #tpu.memory_space<semaphore_mem>>) src(%dma_wait3A_285 : memref<4196x16xf32, #tpu.memory_space<hbm>>) dst(%dma_wait3A_280 : memref<128x16xf32, #tpu.memory_space<vmem>>)
    %dma_wait3A_286 = arith.constant 1792 : i32
    %dma_wait3A_287 = arith.constant 0 : i32
    %dma_wait3A_288 = tpu.memref_slice %arg9[%dma_wait3A_286, %dma_wait3A_287] : memref<2560x16xf32, #tpu.memory_space<vmem>> -> memref<128x16xf32, #tpu.memory_space<vmem>>
    %dma_wait3A_289 = arith.constant 1792 : i32
    %dma_wait3A_290 = tpu.memref_slice %arg8[%dma_wait3A_289] : memref<2560xi32, #tpu.memory_space<vmem>> -> memref<128xi32, #tpu.memory_space<vmem>>
    %dma_wait3A_291 = arith.constant 0 : i32
    %dma_wait3A_292 = arith.constant 0 : i32
    %dma_wait3A_293 = tpu.memref_slice %arg2[%dma_wait3A_291, %dma_wait3A_292] : memref<4196x16xf32, #tpu.memory_space<hbm>> -> memref<4196x16xf32, #tpu.memory_space<hbm>>
    tpu.wait_indirect_dma semaphore(%arg10 : memref<!tpu.dma_semaphore, #tpu.memory_space<semaphore_mem>>) src(%dma_wait3A_293 : memref<4196x16xf32, #tpu.memory_space<hbm>>) dst(%dma_wait3A_288 : memref<128x16xf32, #tpu.memory_space<vmem>>)
    %dma_wait3A_294 = arith.constant 1920 : i32
    %dma_wait3A_295 = arith.constant 0 : i32
    %dma_wait3A_296 = tpu.memref_slice %arg9[%dma_wait3A_294, %dma_wait3A_295] : memref<2560x16xf32, #tpu.memory_space<vmem>> -> memref<128x16xf32, #tpu.memory_space<vmem>>
    %dma_wait3A_297 = arith.constant 1920 : i32
    %dma_wait3A_298 = tpu.memref_slice %arg8[%dma_wait3A_297] : memref<2560xi32, #tpu.memory_space<vmem>> -> memref<128xi32, #tpu.memory_space<vmem>>
    %dma_wait3A_299 = arith.constant 0 : i32
    %dma_wait3A_300 = arith.constant 0 : i32
    %dma_wait3A_301 = tpu.memref_slice %arg2[%dma_wait3A_299, %dma_wait3A_300] : memref<4196x16xf32, #tpu.memory_space<hbm>> -> memref<4196x16xf32, #tpu.memory_space<hbm>>
    tpu.wait_indirect_dma semaphore(%arg10 : memref<!tpu.dma_semaphore, #tpu.memory_space<semaphore_mem>>) src(%dma_wait3A_301 : memref<4196x16xf32, #tpu.memory_space<hbm>>) dst(%dma_wait3A_296 : memref<128x16xf32, #tpu.memory_space<vmem>>)
    %dma_wait3A_302 = arith.constant 2048 : i32
    %dma_wait3A_303 = arith.constant 0 : i32
    %dma_wait3A_304 = tpu.memref_slice %arg9[%dma_wait3A_302, %dma_wait3A_303] : memref<2560x16xf32, #tpu.memory_space<vmem>> -> memref<128x16xf32, #tpu.memory_space<vmem>>
    %dma_wait3A_305 = arith.constant 2048 : i32
    %dma_wait3A_306 = tpu.memref_slice %arg8[%dma_wait3A_305] : memref<2560xi32, #tpu.memory_space<vmem>> -> memref<128xi32, #tpu.memory_space<vmem>>
    %dma_wait3A_307 = arith.constant 0 : i32
    %dma_wait3A_308 = arith.constant 0 : i32
    %dma_wait3A_309 = tpu.memref_slice %arg2[%dma_wait3A_307, %dma_wait3A_308] : memref<4196x16xf32, #tpu.memory_space<hbm>> -> memref<4196x16xf32, #tpu.memory_space<hbm>>
    tpu.wait_indirect_dma semaphore(%arg10 : memref<!tpu.dma_semaphore, #tpu.memory_space<semaphore_mem>>) src(%dma_wait3A_309 : memref<4196x16xf32, #tpu.memory_space<hbm>>) dst(%dma_wait3A_304 : memref<128x16xf32, #tpu.memory_space<vmem>>)
    %dma_wait3A_310 = arith.constant 2176 : i32
    %dma_wait3A_311 = arith.constant 0 : i32
    %dma_wait3A_312 = tpu.memref_slice %arg9[%dma_wait3A_310, %dma_wait3A_311] : memref<2560x16xf32, #tpu.memory_space<vmem>> -> memref<128x16xf32, #tpu.memory_space<vmem>>
    %dma_wait3A_313 = arith.constant 2176 : i32
    %dma_wait3A_314 = tpu.memref_slice %arg8[%dma_wait3A_313] : memref<2560xi32, #tpu.memory_space<vmem>> -> memref<128xi32, #tpu.memory_space<vmem>>
    %dma_wait3A_315 = arith.constant 0 : i32
    %dma_wait3A_316 = arith.constant 0 : i32
    %dma_wait3A_317 = tpu.memref_slice %arg2[%dma_wait3A_315, %dma_wait3A_316] : memref<4196x16xf32, #tpu.memory_space<hbm>> -> memref<4196x16xf32, #tpu.memory_space<hbm>>
    tpu.wait_indirect_dma semaphore(%arg10 : memref<!tpu.dma_semaphore, #tpu.memory_space<semaphore_mem>>) src(%dma_wait3A_317 : memref<4196x16xf32, #tpu.memory_space<hbm>>) dst(%dma_wait3A_312 : memref<128x16xf32, #tpu.memory_space<vmem>>)
    %dma_wait3A_318 = arith.constant 2304 : i32
    %dma_wait3A_319 = arith.constant 0 : i32
    %dma_wait3A_320 = tpu.memref_slice %arg9[%dma_wait3A_318, %dma_wait3A_319] : memref<2560x16xf32, #tpu.memory_space<vmem>> -> memref<128x16xf32, #tpu.memory_space<vmem>>
    %dma_wait3A_321 = arith.constant 2304 : i32
    %dma_wait3A_322 = tpu.memref_slice %arg8[%dma_wait3A_321] : memref<2560xi32, #tpu.memory_space<vmem>> -> memref<128xi32, #tpu.memory_space<vmem>>
    %dma_wait3A_323 = arith.constant 0 : i32
    %dma_wait3A_324 = arith.constant 0 : i32
    %dma_wait3A_325 = tpu.memref_slice %arg2[%dma_wait3A_323, %dma_wait3A_324] : memref<4196x16xf32, #tpu.memory_space<hbm>> -> memref<4196x16xf32, #tpu.memory_space<hbm>>
    tpu.wait_indirect_dma semaphore(%arg10 : memref<!tpu.dma_semaphore, #tpu.memory_space<semaphore_mem>>) src(%dma_wait3A_325 : memref<4196x16xf32, #tpu.memory_space<hbm>>) dst(%dma_wait3A_320 : memref<128x16xf32, #tpu.memory_space<vmem>>)
    %dma_wait3A_326 = arith.constant 2432 : i32
    %dma_wait3A_327 = arith.constant 0 : i32
    %dma_wait3A_328 = tpu.memref_slice %arg9[%dma_wait3A_326, %dma_wait3A_327] : memref<2560x16xf32, #tpu.memory_space<vmem>> -> memref<128x16xf32, #tpu.memory_space<vmem>>
    %dma_wait3A_329 = arith.constant 2432 : i32
    %dma_wait3A_330 = tpu.memref_slice %arg8[%dma_wait3A_329] : memref<2560xi32, #tpu.memory_space<vmem>> -> memref<128xi32, #tpu.memory_space<vmem>>
    %dma_wait3A_331 = arith.constant 0 : i32
    %dma_wait3A_332 = arith.constant 0 : i32
    %dma_wait3A_333 = tpu.memref_slice %arg2[%dma_wait3A_331, %dma_wait3A_332] : memref<4196x16xf32, #tpu.memory_space<hbm>> -> memref<4196x16xf32, #tpu.memory_space<hbm>>
    tpu.wait_indirect_dma semaphore(%arg10 : memref<!tpu.dma_semaphore, #tpu.memory_space<semaphore_mem>>) src(%dma_wait3A_333 : memref<4196x16xf32, #tpu.memory_space<hbm>>) dst(%dma_wait3A_328 : memref<128x16xf32, #tpu.memory_space<vmem>>)
    "tpu.region"() ({
      %run_scoped3A = tpu.sem_alloc : memref<!tpu.dma_semaphore, #tpu.memory_space<semaphore_mem>>
      %dma_start3A_334 = arith.constant 0 : i32
      %dma_start3A_335 = tpu.memref_slice %arg5[%mul3A_4, %dma_start3A_334] : memref<81920x16xf32, #tpu.memory_space<hbm>> -> memref<2560x16xf32, #tpu.memory_space<hbm>>
      %dma_start3A_336 = arith.constant 0 : i32
      %dma_start3A_337 = tpu.memref_slice %arg5[%mul3A_4, %dma_start3A_336] : memref<81920x16xf32, #tpu.memory_space<hbm>> -> memref<2560x16xf32, #tpu.memory_space<hbm>>
      tpu.enqueue_dma source(%arg9 : memref<2560x16xf32, #tpu.memory_space<vmem>>) target(%dma_start3A_337 : memref<2560x16xf32, #tpu.memory_space<hbm>>) target_semaphore(%run_scoped3A : memref<!tpu.dma_semaphore, #tpu.memory_space<semaphore_mem>>)
      %dma_wait3A_338 = arith.constant 0 : i32
      %dma_wait3A_339 = tpu.memref_slice %arg5[%mul3A_4, %dma_wait3A_338] : memref<81920x16xf32, #tpu.memory_space<hbm>> -> memref<2560x16xf32, #tpu.memory_space<hbm>>
      %dma_wait3A_340 = arith.constant 0 : i32
      %dma_wait3A_341 = tpu.memref_slice %arg5[%mul3A_4, %dma_wait3A_340] : memref<81920x16xf32, #tpu.memory_space<hbm>> -> memref<2560x16xf32, #tpu.memory_space<hbm>>
      tpu.wait_dma2 semaphore(%run_scoped3A : memref<!tpu.dma_semaphore, #tpu.memory_space<semaphore_mem>>) src(%arg9 : memref<2560x16xf32, #tpu.memory_space<vmem>>) dst(%dma_wait3A_341 : memref<2560x16xf32, #tpu.memory_space<hbm>>)
      tpu.yield
    }) : () -> ()
    return
  }
}

#map = affine_map<(d0, d1) -> (0, 0)>
#map1 = affine_map<(d0, d1) -> (0)>
module attributes {stable_mosaic.version = 14 : i64} {
  func.func @sc_gather_we(%arg0: i32, %arg1: i32, %arg2: memref<100000x300xf32, #tpu.memory_space<hbm>>, %arg3: memref<4096xi32, #tpu.memory_space<hbm>>, %arg4: memref<4096x256xf32, #tpu.memory_space<hbm>>, %arg5: memref<128xi32, #tpu.memory_space<vmem>>, %arg6: memref<128x256xf32, #tpu.memory_space<vmem>>, %arg7: memref<!tpu.dma_semaphore, #tpu.memory_space<semaphore_mem>>) attributes {dimension_semantics = [#tpu.dimension_semantics<core_parallel>, #tpu.dimension_semantics<subcore_parallel>], iteration_bounds = array<i64: 2, 16>, scalar_prefetch = 0 : i64, scratch_operands = 3 : i64, tpu.core_type = #tpu.core_type<sc_vector_subcore>, window_params = [{transform_indices = #map}, {transform_indices = #map1}, {transform_indices = #map}]} {
    %mul3A = arith.constant 2 : i32
    %mul3A_0 = arith.muli %arg1, %mul3A : i32
    %add3A = arith.addi %mul3A_0, %arg0 : i32
    %mul3A_1 = arith.constant 128 : i32
    %mul3A_2 = arith.muli %add3A, %mul3A_1 : i32
    "tpu.region"() ({
      %run_scoped3A = tpu.sem_alloc : memref<!tpu.dma_semaphore, #tpu.memory_space<semaphore_mem>>
      %dma_start3A_25 = tpu.memref_slice %arg3[%mul3A_2] : memref<4096xi32, #tpu.memory_space<hbm>> -> memref<128xi32, #tpu.memory_space<hbm>>
      %dma_start3A_26 = tpu.memref_slice %arg3[%mul3A_2] : memref<4096xi32, #tpu.memory_space<hbm>> -> memref<128xi32, #tpu.memory_space<hbm>>
      tpu.enqueue_dma source(%dma_start3A_26 : memref<128xi32, #tpu.memory_space<hbm>>) target(%arg5 : memref<128xi32, #tpu.memory_space<vmem>>) target_semaphore(%run_scoped3A : memref<!tpu.dma_semaphore, #tpu.memory_space<semaphore_mem>>)
      %dma_wait3A_27 = tpu.memref_slice %arg3[%mul3A_2] : memref<4096xi32, #tpu.memory_space<hbm>> -> memref<128xi32, #tpu.memory_space<hbm>>
      %dma_wait3A_28 = tpu.memref_slice %arg3[%mul3A_2] : memref<4096xi32, #tpu.memory_space<hbm>> -> memref<128xi32, #tpu.memory_space<hbm>>
      tpu.wait_dma2 semaphore(%run_scoped3A : memref<!tpu.dma_semaphore, #tpu.memory_space<semaphore_mem>>) src(%dma_wait3A_28 : memref<128xi32, #tpu.memory_space<hbm>>) dst(%arg5 : memref<128xi32, #tpu.memory_space<vmem>>)
      tpu.yield
    }) : () -> ()
    %dma_start3A = arith.constant 0 : i32
    %dma_start3A_3 = arith.constant 0 : i32
    %dma_start3A_4 = tpu.memref_slice %arg6[%dma_start3A, %dma_start3A_3] : memref<128x256xf32, #tpu.memory_space<vmem>> -> memref<128x128xf32, #tpu.memory_space<vmem>>
    %dma_start3A_5 = arith.constant 0 : i32
    %dma_start3A_6 = arith.constant 0 : i32
    %dma_start3A_7 = tpu.memref_slice %arg2[%dma_start3A_5, %dma_start3A_6] : memref<100000x300xf32, #tpu.memory_space<hbm>> -> memref<100000x128xf32, #tpu.memory_space<hbm>>
    tpu.enqueue_indirect_dma source(%dma_start3A_7 : memref<100000x128xf32, #tpu.memory_space<hbm>>) target(%dma_start3A_4 : memref<128x128xf32, #tpu.memory_space<vmem>>) offsets(%arg5 : memref<128xi32, #tpu.memory_space<vmem>>) semaphore(%arg7 : memref<!tpu.dma_semaphore, #tpu.memory_space<semaphore_mem>>)
    %dma_start3A_8 = arith.constant 0 : i32
    %dma_start3A_9 = arith.constant 128 : i32
    %dma_start3A_10 = tpu.memref_slice %arg6[%dma_start3A_8, %dma_start3A_9] : memref<128x256xf32, #tpu.memory_space<vmem>> -> memref<128x128xf32, #tpu.memory_space<vmem>>
    %dma_start3A_11 = arith.constant 0 : i32
    %dma_start3A_12 = arith.constant 128 : i32
    %dma_start3A_13 = tpu.memref_slice %arg2[%dma_start3A_11, %dma_start3A_12] : memref<100000x300xf32, #tpu.memory_space<hbm>> -> memref<100000x128xf32, #tpu.memory_space<hbm>>
    tpu.enqueue_indirect_dma source(%dma_start3A_13 : memref<100000x128xf32, #tpu.memory_space<hbm>>) target(%dma_start3A_10 : memref<128x128xf32, #tpu.memory_space<vmem>>) offsets(%arg5 : memref<128xi32, #tpu.memory_space<vmem>>) semaphore(%arg7 : memref<!tpu.dma_semaphore, #tpu.memory_space<semaphore_mem>>)
    %dma_wait3A = arith.constant 0 : i32
    %dma_wait3A_14 = arith.constant 0 : i32
    %dma_wait3A_15 = tpu.memref_slice %arg6[%dma_wait3A, %dma_wait3A_14] : memref<128x256xf32, #tpu.memory_space<vmem>> -> memref<128x128xf32, #tpu.memory_space<vmem>>
    %dma_wait3A_16 = arith.constant 0 : i32
    %dma_wait3A_17 = arith.constant 0 : i32
    %dma_wait3A_18 = tpu.memref_slice %arg2[%dma_wait3A_16, %dma_wait3A_17] : memref<100000x300xf32, #tpu.memory_space<hbm>> -> memref<100000x128xf32, #tpu.memory_space<hbm>>
    tpu.wait_indirect_dma semaphore(%arg7 : memref<!tpu.dma_semaphore, #tpu.memory_space<semaphore_mem>>) src(%dma_wait3A_18 : memref<100000x128xf32, #tpu.memory_space<hbm>>) dst(%dma_wait3A_15 : memref<128x128xf32, #tpu.memory_space<vmem>>)
    %dma_wait3A_19 = arith.constant 0 : i32
    %dma_wait3A_20 = arith.constant 128 : i32
    %dma_wait3A_21 = tpu.memref_slice %arg6[%dma_wait3A_19, %dma_wait3A_20] : memref<128x256xf32, #tpu.memory_space<vmem>> -> memref<128x128xf32, #tpu.memory_space<vmem>>
    %dma_wait3A_22 = arith.constant 0 : i32
    %dma_wait3A_23 = arith.constant 128 : i32
    %dma_wait3A_24 = tpu.memref_slice %arg2[%dma_wait3A_22, %dma_wait3A_23] : memref<100000x300xf32, #tpu.memory_space<hbm>> -> memref<100000x128xf32, #tpu.memory_space<hbm>>
    tpu.wait_indirect_dma semaphore(%arg7 : memref<!tpu.dma_semaphore, #tpu.memory_space<semaphore_mem>>) src(%dma_wait3A_24 : memref<100000x128xf32, #tpu.memory_space<hbm>>) dst(%dma_wait3A_21 : memref<128x128xf32, #tpu.memory_space<vmem>>)
    "tpu.region"() ({
      %run_scoped3A = tpu.sem_alloc : memref<!tpu.dma_semaphore, #tpu.memory_space<semaphore_mem>>
      %dma_start3A_25 = arith.constant 0 : i32
      %dma_start3A_26 = tpu.memref_slice %arg4[%mul3A_2, %dma_start3A_25] : memref<4096x256xf32, #tpu.memory_space<hbm>> -> memref<128x256xf32, #tpu.memory_space<hbm>>
      %dma_start3A_27 = arith.constant 0 : i32
      %dma_start3A_28 = tpu.memref_slice %arg4[%mul3A_2, %dma_start3A_27] : memref<4096x256xf32, #tpu.memory_space<hbm>> -> memref<128x256xf32, #tpu.memory_space<hbm>>
      tpu.enqueue_dma source(%arg6 : memref<128x256xf32, #tpu.memory_space<vmem>>) target(%dma_start3A_28 : memref<128x256xf32, #tpu.memory_space<hbm>>) target_semaphore(%run_scoped3A : memref<!tpu.dma_semaphore, #tpu.memory_space<semaphore_mem>>)
      %dma_wait3A_29 = arith.constant 0 : i32
      %dma_wait3A_30 = tpu.memref_slice %arg4[%mul3A_2, %dma_wait3A_29] : memref<4096x256xf32, #tpu.memory_space<hbm>> -> memref<128x256xf32, #tpu.memory_space<hbm>>
      %dma_wait3A_31 = arith.constant 0 : i32
      %dma_wait3A_32 = tpu.memref_slice %arg4[%mul3A_2, %dma_wait3A_31] : memref<4096x256xf32, #tpu.memory_space<hbm>> -> memref<128x256xf32, #tpu.memory_space<hbm>>
      tpu.wait_dma2 semaphore(%run_scoped3A : memref<!tpu.dma_semaphore, #tpu.memory_space<semaphore_mem>>) src(%arg6 : memref<128x256xf32, #tpu.memory_space<vmem>>) dst(%dma_wait3A_32 : memref<128x256xf32, #tpu.memory_space<hbm>>)
      tpu.yield
    }) : () -> ()
    return
  }
}

module attributes {stable_mosaic.version = 14 : i64} {
  func.func @_tc_body(%arg0: i32, %arg1: memref<512x256xf32, #tpu.memory_space<vmem>>, %arg2: memref<512x44xf32, #tpu.memory_space<vmem>>, %arg3: memref<512x32xf32, #tpu.memory_space<vmem>>, %arg4: memref<512x1xi32, #tpu.memory_space<vmem>>, %arg5: memref<512x1xi32, #tpu.memory_space<vmem>>, %arg6: memref<512x1xi32, #tpu.memory_space<vmem>>, %arg7: memref<100x32xf32, #tpu.memory_space<vmem>>, %arg8: memref<32x512xf32, #tpu.memory_space<vmem>>, %arg9: memref<1x512xf32, #tpu.memory_space<vmem>>, %arg10: memref<512x15xf32, #tpu.memory_space<vmem>>, %arg11: memref<1x15xf32, #tpu.memory_space<vmem>>, %arg12: memref<256x512xf32, #tpu.memory_space<vmem>>, %arg13: memref<44x512xf32, #tpu.memory_space<vmem>>, %arg14: memref<32x512xf32, #tpu.memory_space<vmem>>, %arg15: memref<16x512xf32, #tpu.memory_space<vmem>>, %arg16: memref<16x512xf32, #tpu.memory_space<vmem>>, %arg17: memref<16x512xf32, #tpu.memory_space<vmem>>, %arg18: memref<1x512xf32, #tpu.memory_space<vmem>>, %arg19: memref<512x15xf32, #tpu.memory_space<vmem>>, %arg20: memref<1x15xf32, #tpu.memory_space<vmem>>, %arg21: memref<3x16xf32, #tpu.memory_space<vmem>>, %arg22: memref<3x16xf32, #tpu.memory_space<vmem>>, %arg23: memref<4x16xf32, #tpu.memory_space<vmem>>, %arg24: memref<512x16xf32, #tpu.memory_space<vmem>>, %arg25: memref<100x16xf32, #tpu.memory_space<vmem>>) attributes {dimension_semantics = [#tpu.dimension_semantics<arbitrary>], iteration_bounds = array<i64: 8>, scalar_prefetch = 0 : i64, scratch_operands = 0 : i64, tpu.core_type = #tpu.core_type<tc>, window_params = [{transform_indices = @transform_0, window_bounds = array<i64: 512, 256>}, {transform_indices = @transform_1, window_bounds = array<i64: 512, 44>}, {transform_indices = @transform_2, window_bounds = array<i64: 512, 32>}, {transform_indices = @transform_3, window_bounds = array<i64: 512, 1>}, {transform_indices = @transform_4, window_bounds = array<i64: 512, 1>}, {transform_indices = @transform_5, window_bounds = array<i64: 512, 1>}, {pipeline_mode = #tpu.pipeline_mode<synchronous>, transform_indices = @transform_6, window_bounds = array<i64: 100, 32>}, {pipeline_mode = #tpu.pipeline_mode<synchronous>, transform_indices = @transform_7, window_bounds = array<i64: 32, 512>}, {pipeline_mode = #tpu.pipeline_mode<synchronous>, transform_indices = @transform_8, window_bounds = array<i64: 1, 512>}, {pipeline_mode = #tpu.pipeline_mode<synchronous>, transform_indices = @transform_9, window_bounds = array<i64: 512, 15>}, {pipeline_mode = #tpu.pipeline_mode<synchronous>, transform_indices = @transform_10, window_bounds = array<i64: 1, 15>}, {pipeline_mode = #tpu.pipeline_mode<synchronous>, transform_indices = @transform_11, window_bounds = array<i64: 256, 512>}, {pipeline_mode = #tpu.pipeline_mode<synchronous>, transform_indices = @transform_12, window_bounds = array<i64: 44, 512>}, {pipeline_mode = #tpu.pipeline_mode<synchronous>, transform_indices = @transform_13, window_bounds = array<i64: 32, 512>}, {pipeline_mode = #tpu.pipeline_mode<synchronous>, transform_indices = @transform_14, window_bounds = array<i64: 16, 512>}, {pipeline_mode = #tpu.pipeline_mode<synchronous>, transform_indices = @transform_15, window_bounds = array<i64: 16, 512>}, {pipeline_mode = #tpu.pipeline_mode<synchronous>, transform_indices = @transform_16, window_bounds = array<i64: 16, 512>}, {pipeline_mode = #tpu.pipeline_mode<synchronous>, transform_indices = @transform_17, window_bounds = array<i64: 1, 512>}, {pipeline_mode = #tpu.pipeline_mode<synchronous>, transform_indices = @transform_18, window_bounds = array<i64: 512, 15>}, {pipeline_mode = #tpu.pipeline_mode<synchronous>, transform_indices = @transform_19, window_bounds = array<i64: 1, 15>}, {pipeline_mode = #tpu.pipeline_mode<synchronous>, transform_indices = @transform_20, window_bounds = array<i64: 3, 16>}, {pipeline_mode = #tpu.pipeline_mode<synchronous>, transform_indices = @transform_21, window_bounds = array<i64: 3, 16>}, {pipeline_mode = #tpu.pipeline_mode<synchronous>, transform_indices = @transform_22, window_bounds = array<i64: 4, 16>}, {transform_indices = @transform_23, window_bounds = array<i64: 512, 16>}, {pipeline_mode = #tpu.pipeline_mode<synchronous>, transform_indices = @transform_24, window_bounds = array<i64: 100, 16>}]} {
    %get3A = arith.constant 0 : index
    %get3A_0 = arith.constant 0 : index
    %get3A_1 = vector.load %arg7[%get3A, %get3A_0] : memref<100x32xf32, #tpu.memory_space<vmem>>, vector<100x32xf32>
    %get3A_2 = arith.constant 0 : index
    %get3A_3 = arith.constant 0 : index
    %get3A_4 = vector.load %arg8[%get3A_2, %get3A_3] : memref<32x512xf32, #tpu.memory_space<vmem>>, vector<32x512xf32>
    %dot_general3A = arith.constant dense<0.000000e+00> : vector<100x512xf32>
    %dot_general3A_5 = tpu.matmul %get3A_1, %get3A_4, %dot_general3A {dimension_numbers = #tpu.dot_dimension_numbers<[1], [0], [0], [1], [0, 0, 1, 1], [], []>, transpose_lhs_hint = false} : vector<100x32xf32>, vector<32x512xf32>, vector<100x512xf32> -> vector<100x512xf32>
    %get3A_6 = arith.constant 0 : index
    %get3A_7 = arith.constant 0 : index
    %get3A_8 = vector.load %arg9[%get3A_6, %get3A_7] : memref<1x512xf32, #tpu.memory_space<vmem>>, vector<1x512xf32>
    %add3A = vector.broadcast %get3A_8 : vector<1x512xf32> to vector<100x512xf32>
    %add3A_9 = arith.addf %dot_general3A_5, %add3A : vector<100x512xf32>
    %tanh3A = math.tanh %add3A_9 : vector<100x512xf32>
    %get3A_10 = arith.constant 0 : index
    %get3A_11 = arith.constant 0 : index
    %get3A_12 = vector.load %arg10[%get3A_10, %get3A_11] : memref<512x15xf32, #tpu.memory_space<vmem>>, vector<512x15xf32>
    %dot_general3A_13 = arith.constant dense<0.000000e+00> : vector<100x15xf32>
    %dot_general3A_14 = tpu.matmul %tanh3A, %get3A_12, %dot_general3A_13 {dimension_numbers = #tpu.dot_dimension_numbers<[1], [0], [0], [1], [0, 0, 1, 1], [], []>, transpose_lhs_hint = false} : vector<100x512xf32>, vector<512x15xf32>, vector<100x15xf32> -> vector<100x15xf32>
    %get3A_15 = arith.constant 0 : index
    %get3A_16 = arith.constant 0 : index
    %get3A_17 = vector.load %arg11[%get3A_15, %get3A_16] : memref<1x15xf32, #tpu.memory_space<vmem>>, vector<1x15xf32>
    %add3A_18 = vector.broadcast %get3A_17 : vector<1x15xf32> to vector<100x15xf32>
    %add3A_19 = arith.addf %dot_general3A_14, %add3A_18 : vector<100x15xf32>
    %broadcast_in_dim3A = arith.constant 0.000000e+00 : f32
    %broadcast_in_dim3A_20 = vector.broadcast %broadcast_in_dim3A : f32 to vector<100x1xf32>
    %concatenate3A = tpu.concatenate %add3A_19, %broadcast_in_dim3A_20 in 1 : vector<100x15xf32>, vector<100x1xf32> -> vector<100x16xf32>
    %swap3A = arith.constant 0 : index
    %swap3A_21 = arith.constant 0 : index
    %swap3A_22 = vector.load %arg25[%swap3A, %swap3A_21] : memref<100x16xf32, #tpu.memory_space<vmem>>, vector<100x16xf32>
    tpu.vector_store %arg25[%swap3A, %swap3A_21], %concatenate3A {strides = array<i32>} : memref<100x16xf32, #tpu.memory_space<vmem>>, vector<100x16xf32>,
    %get3A_23 = arith.constant 0 : index
    %get3A_24 = arith.constant 0 : index
    %get3A_25 = vector.load %arg21[%get3A_23, %get3A_24] : memref<3x16xf32, #tpu.memory_space<vmem>>, vector<3x16xf32>
    %get3A_26 = arith.constant 0 : index
    %get3A_27 = arith.constant 0 : index
    %get3A_28 = vector.load %arg15[%get3A_26, %get3A_27] : memref<16x512xf32, #tpu.memory_space<vmem>>, vector<16x512xf32>
    %dot_general3A_29 = arith.constant dense<0.000000e+00> : vector<3x512xf32>
    %dot_general3A_30 = tpu.matmul %get3A_25, %get3A_28, %dot_general3A_29 {dimension_numbers = #tpu.dot_dimension_numbers<[1], [0], [0], [1], [0, 0, 1, 1], [], []>, transpose_lhs_hint = false} : vector<3x16xf32>, vector<16x512xf32>, vector<3x512xf32> -> vector<3x512xf32>
    %get3A_31 = arith.constant 0 : index
    %get3A_32 = arith.constant 0 : index
    %get3A_33 = vector.load %arg22[%get3A_31, %get3A_32] : memref<3x16xf32, #tpu.memory_space<vmem>>, vector<3x16xf32>
    %get3A_34 = arith.constant 0 : index
    %get3A_35 = arith.constant 0 : index
    %get3A_36 = vector.load %arg16[%get3A_34, %get3A_35] : memref<16x512xf32, #tpu.memory_space<vmem>>, vector<16x512xf32>
    %dot_general3A_37 = arith.constant dense<0.000000e+00> : vector<3x512xf32>
    %dot_general3A_38 = tpu.matmul %get3A_33, %get3A_36, %dot_general3A_37 {dimension_numbers = #tpu.dot_dimension_numbers<[1], [0], [0], [1], [0, 0, 1, 1], [], []>, transpose_lhs_hint = false} : vector<3x16xf32>, vector<16x512xf32>, vector<3x512xf32> -> vector<3x512xf32>
    %get3A_39 = arith.constant 0 : index
    %get3A_40 = arith.constant 0 : index
    %get3A_41 = vector.load %arg23[%get3A_39, %get3A_40] : memref<4x16xf32, #tpu.memory_space<vmem>>, vector<4x16xf32>
    %get3A_42 = arith.constant 0 : index
    %get3A_43 = arith.constant 0 : index
    %get3A_44 = vector.load %arg17[%get3A_42, %get3A_43] : memref<16x512xf32, #tpu.memory_space<vmem>>, vector<16x512xf32>
    %dot_general3A_45 = arith.constant dense<0.000000e+00> : vector<4x512xf32>
    %dot_general3A_46 = tpu.matmul %get3A_41, %get3A_44, %dot_general3A_45 {dimension_numbers = #tpu.dot_dimension_numbers<[1], [0], [0], [1], [0, 0, 1, 1], [], []>, transpose_lhs_hint = false} : vector<4x16xf32>, vector<16x512xf32>, vector<4x512xf32> -> vector<4x512xf32>
    %get3A_47 = arith.constant 0 : index
    %get3A_48 = arith.constant 0 : index
    %get3A_49 = vector.load %arg4[%get3A_47, %get3A_48] : memref<512x1xi32, #tpu.memory_space<vmem>>, vector<512x1xi32>
    %iota3A = tpu.iota {dimensions = array<i32: 1>} : vector<1x3xi32>
    %eq3A = vector.broadcast %get3A_49 : vector<512x1xi32> to vector<512x3xi32>
    %eq3A_50 = vector.broadcast %iota3A : vector<1x3xi32> to vector<512x3xi32>
    %eq3A_51 = arith.cmpi eq, %eq3A, %eq3A_50 : vector<512x3xi32>
    %convert_element_type3A = arith.extui %eq3A_51 : vector<512x3xi1> to vector<512x3xi32>
    %convert_element_type3A_52 = arith.sitofp %convert_element_type3A : vector<512x3xi32> to vector<512x3xf32>
    %get3A_53 = arith.constant 0 : index
    %get3A_54 = arith.constant 0 : index
    %get3A_55 = vector.load %arg5[%get3A_53, %get3A_54] : memref<512x1xi32, #tpu.memory_space<vmem>>, vector<512x1xi32>
    %iota3A_56 = tpu.iota {dimensions = array<i32: 1>} : vector<1x3xi32>
    %eq3A_57 = vector.broadcast %get3A_55 : vector<512x1xi32> to vector<512x3xi32>
    %eq3A_58 = vector.broadcast %iota3A_56 : vector<1x3xi32> to vector<512x3xi32>
    %eq3A_59 = arith.cmpi eq, %eq3A_57, %eq3A_58 : vector<512x3xi32>
    %convert_element_type3A_60 = arith.extui %eq3A_59 : vector<512x3xi1> to vector<512x3xi32>
    %convert_element_type3A_61 = arith.sitofp %convert_element_type3A_60 : vector<512x3xi32> to vector<512x3xf32>
    %get3A_62 = arith.constant 0 : index
    %get3A_63 = arith.constant 0 : index
    %get3A_64 = vector.load %arg6[%get3A_62, %get3A_63] : memref<512x1xi32, #tpu.memory_space<vmem>>, vector<512x1xi32>
    %iota3A_65 = tpu.iota {dimensions = array<i32: 1>} : vector<1x4xi32>
    %eq3A_66 = vector.broadcast %get3A_64 : vector<512x1xi32> to vector<512x4xi32>
    %eq3A_67 = vector.broadcast %iota3A_65 : vector<1x4xi32> to vector<512x4xi32>
    %eq3A_68 = arith.cmpi eq, %eq3A_66, %eq3A_67 : vector<512x4xi32>
    %convert_element_type3A_69 = arith.extui %eq3A_68 : vector<512x4xi1> to vector<512x4xi32>
    %convert_element_type3A_70 = arith.sitofp %convert_element_type3A_69 : vector<512x4xi32> to vector<512x4xf32>
    %get3A_71 = arith.constant 0 : index
    %get3A_72 = arith.constant 0 : index
    %get3A_73 = vector.load %arg1[%get3A_71, %get3A_72] : memref<512x256xf32, #tpu.memory_space<vmem>>, vector<512x256xf32>
    %get3A_74 = arith.constant 0 : index
    %get3A_75 = arith.constant 0 : index
    %get3A_76 = vector.load %arg12[%get3A_74, %get3A_75] : memref<256x512xf32, #tpu.memory_space<vmem>>, vector<256x512xf32>
    %dot_general3A_77 = arith.constant dense<0.000000e+00> : vector<512x512xf32>
    %dot_general3A_78 = tpu.matmul %get3A_73, %get3A_76, %dot_general3A_77 {dimension_numbers = #tpu.dot_dimension_numbers<[1], [0], [0], [1], [0, 0, 1, 1], [], []>, transpose_lhs_hint = false} : vector<512x256xf32>, vector<256x512xf32>, vector<512x512xf32> -> vector<512x512xf32>
    %get3A_79 = arith.constant 0 : index
    %get3A_80 = arith.constant 0 : index
    %get3A_81 = vector.load %arg2[%get3A_79, %get3A_80] : memref<512x44xf32, #tpu.memory_space<vmem>>, vector<512x44xf32>
    %get3A_82 = arith.constant 0 : index
    %get3A_83 = arith.constant 0 : index
    %get3A_84 = vector.load %arg13[%get3A_82, %get3A_83] : memref<44x512xf32, #tpu.memory_space<vmem>>, vector<44x512xf32>
    %dot_general3A_85 = arith.constant dense<0.000000e+00> : vector<512x512xf32>
    %dot_general3A_86 = tpu.matmul %get3A_81, %get3A_84, %dot_general3A_85 {dimension_numbers = #tpu.dot_dimension_numbers<[1], [0], [0], [1], [0, 0, 1, 1], [], []>, transpose_lhs_hint = false} : vector<512x44xf32>, vector<44x512xf32>, vector<512x512xf32> -> vector<512x512xf32>
    %add3A_87 = arith.addf %dot_general3A_78, %dot_general3A_86 : vector<512x512xf32>
    %get3A_88 = arith.constant 0 : index
    %get3A_89 = arith.constant 0 : index
    %get3A_90 = vector.load %arg3[%get3A_88, %get3A_89] : memref<512x32xf32, #tpu.memory_space<vmem>>, vector<512x32xf32>
    %get3A_91 = arith.constant 0 : index
    %get3A_92 = arith.constant 0 : index
    %get3A_93 = vector.load %arg14[%get3A_91, %get3A_92] : memref<32x512xf32, #tpu.memory_space<vmem>>, vector<32x512xf32>
    %dot_general3A_94 = arith.constant dense<0.000000e+00> : vector<512x512xf32>
    %dot_general3A_95 = tpu.matmul %get3A_90, %get3A_93, %dot_general3A_94 {dimension_numbers = #tpu.dot_dimension_numbers<[1], [0], [0], [1], [0, 0, 1, 1], [], []>, transpose_lhs_hint = false} : vector<512x32xf32>, vector<32x512xf32>, vector<512x512xf32> -> vector<512x512xf32>
    %add3A_96 = arith.addf %add3A_87, %dot_general3A_95 : vector<512x512xf32>
    %dot_general3A_97 = arith.constant dense<0.000000e+00> : vector<512x512xf32>
    %dot_general3A_98 = tpu.matmul %convert_element_type3A_52, %dot_general3A_30, %dot_general3A_97 {dimension_numbers = #tpu.dot_dimension_numbers<[1], [0], [0], [1], [0, 0, 1, 1], [], []>, transpose_lhs_hint = false} : vector<512x3xf32>, vector<3x512xf32>, vector<512x512xf32> -> vector<512x512xf32>
    %add3A_99 = arith.addf %add3A_96, %dot_general3A_98 : vector<512x512xf32>
    %dot_general3A_100 = arith.constant dense<0.000000e+00> : vector<512x512xf32>
    %dot_general3A_101 = tpu.matmul %convert_element_type3A_61, %dot_general3A_38, %dot_general3A_100 {dimension_numbers = #tpu.dot_dimension_numbers<[1], [0], [0], [1], [0, 0, 1, 1], [], []>, transpose_lhs_hint = false} : vector<512x3xf32>, vector<3x512xf32>, vector<512x512xf32> -> vector<512x512xf32>
    %add3A_102 = arith.addf %add3A_99, %dot_general3A_101 : vector<512x512xf32>
    %dot_general3A_103 = arith.constant dense<0.000000e+00> : vector<512x512xf32>
    %dot_general3A_104 = tpu.matmul %convert_element_type3A_70, %dot_general3A_46, %dot_general3A_103 {dimension_numbers = #tpu.dot_dimension_numbers<[1], [0], [0], [1], [0, 0, 1, 1], [], []>, transpose_lhs_hint = false} : vector<512x4xf32>, vector<4x512xf32>, vector<512x512xf32> -> vector<512x512xf32>
    %add3A_105 = arith.addf %add3A_102, %dot_general3A_104 : vector<512x512xf32>
    %get3A_106 = arith.constant 0 : index
    %get3A_107 = arith.constant 0 : index
    %get3A_108 = vector.load %arg18[%get3A_106, %get3A_107] : memref<1x512xf32, #tpu.memory_space<vmem>>, vector<1x512xf32>
    %add3A_109 = vector.broadcast %get3A_108 : vector<1x512xf32> to vector<512x512xf32>
    %add3A_110 = arith.addf %add3A_105, %add3A_109 : vector<512x512xf32>
    %tanh3A_111 = math.tanh %add3A_110 : vector<512x512xf32>
    %get3A_112 = arith.constant 0 : index
    %get3A_113 = arith.constant 0 : index
    %get3A_114 = vector.load %arg19[%get3A_112, %get3A_113] : memref<512x15xf32, #tpu.memory_space<vmem>>, vector<512x15xf32>
    %dot_general3A_115 = arith.constant dense<0.000000e+00> : vector<512x15xf32>
    %dot_general3A_116 = tpu.matmul %tanh3A_111, %get3A_114, %dot_general3A_115 {dimension_numbers = #tpu.dot_dimension_numbers<[1], [0], [0], [1], [0, 0, 1, 1], [], []>, transpose_lhs_hint = false} : vector<512x512xf32>, vector<512x15xf32>, vector<512x15xf32> -> vector<512x15xf32>
    %get3A_117 = arith.constant 0 : index
    %get3A_118 = arith.constant 0 : index
    %get3A_119 = vector.load %arg20[%get3A_117, %get3A_118] : memref<1x15xf32, #tpu.memory_space<vmem>>, vector<1x15xf32>
    %add3A_120 = vector.broadcast %get3A_119 : vector<1x15xf32> to vector<512x15xf32>
    %add3A_121 = arith.addf %dot_general3A_116, %add3A_120 : vector<512x15xf32>
    %broadcast_in_dim3A_122 = arith.constant 0.000000e+00 : f32
    %broadcast_in_dim3A_123 = vector.broadcast %broadcast_in_dim3A_122 : f32 to vector<512x1xf32>
    %concatenate3A_124 = tpu.concatenate %add3A_121, %broadcast_in_dim3A_123 in 1 : vector<512x15xf32>, vector<512x1xf32> -> vector<512x16xf32>
    %swap3A_125 = arith.constant 0 : index
    %swap3A_126 = arith.constant 0 : index
    %swap3A_127 = vector.load %arg24[%swap3A_125, %swap3A_126] : memref<512x16xf32, #tpu.memory_space<vmem>>, vector<512x16xf32>
    tpu.vector_store %arg24[%swap3A_125, %swap3A_126], %concatenate3A_124 {strides = array<i32>} : memref<512x16xf32, #tpu.memory_space<vmem>>, vector<512x16xf32>,
    return
  }
  func.func @transform_0(%arg0: i32) -> (i32, i32) {
    %c0_i32 = arith.constant 0 : i32
    %c0_i32_0 = arith.constant 0 : i32
    return %arg0, %c0_i32 : i32, i32
  }
  func.func @transform_1(%arg0: i32) -> (i32, i32) {
    %c0_i32 = arith.constant 0 : i32
    %c0_i32_0 = arith.constant 0 : i32
    return %arg0, %c0_i32 : i32, i32
  }
  func.func @transform_2(%arg0: i32) -> (i32, i32) {
    %c0_i32 = arith.constant 0 : i32
    %c0_i32_0 = arith.constant 0 : i32
    return %arg0, %c0_i32 : i32, i32
  }
  func.func @transform_3(%arg0: i32) -> (i32, i32) {
    %c0_i32 = arith.constant 0 : i32
    %c0_i32_0 = arith.constant 0 : i32
    return %arg0, %c0_i32 : i32, i32
  }
  func.func @transform_4(%arg0: i32) -> (i32, i32) {
    %c0_i32 = arith.constant 0 : i32
    %c0_i32_0 = arith.constant 0 : i32
    return %arg0, %c0_i32 : i32, i32
  }
  func.func @transform_5(%arg0: i32) -> (i32, i32) {
    %c0_i32 = arith.constant 0 : i32
    %c0_i32_0 = arith.constant 0 : i32
    return %arg0, %c0_i32 : i32, i32
  }
  func.func @transform_6(%arg0: i32) -> (i32, i32) {
    %c0_i32 = arith.constant 0 : i32
    %c0_i32_0 = arith.constant 0 : i32
    %c0_i32_1 = arith.constant 0 : i32
    return %c0_i32, %c0_i32_0 : i32, i32
  }
  func.func @transform_7(%arg0: i32) -> (i32, i32) {
    %c0_i32 = arith.constant 0 : i32
    %c0_i32_0 = arith.constant 0 : i32
    %c0_i32_1 = arith.constant 0 : i32
    return %c0_i32, %c0_i32_0 : i32, i32
  }
  func.func @transform_8(%arg0: i32) -> (i32, i32) {
    %c0_i32 = arith.constant 0 : i32
    %c0_i32_0 = arith.constant 0 : i32
    %c0_i32_1 = arith.constant 0 : i32
    return %c0_i32, %c0_i32_0 : i32, i32
  }
  func.func @transform_9(%arg0: i32) -> (i32, i32) {
    %c0_i32 = arith.constant 0 : i32
    %c0_i32_0 = arith.constant 0 : i32
    %c0_i32_1 = arith.constant 0 : i32
    return %c0_i32, %c0_i32_0 : i32, i32
  }
  func.func @transform_10(%arg0: i32) -> (i32, i32) {
    %c0_i32 = arith.constant 0 : i32
    %c0_i32_0 = arith.constant 0 : i32
    %c0_i32_1 = arith.constant 0 : i32
    return %c0_i32, %c0_i32_0 : i32, i32
  }
  func.func @transform_11(%arg0: i32) -> (i32, i32) {
    %c0_i32 = arith.constant 0 : i32
    %c0_i32_0 = arith.constant 0 : i32
    %c0_i32_1 = arith.constant 0 : i32
    return %c0_i32, %c0_i32_0 : i32, i32
  }
  func.func @transform_12(%arg0: i32) -> (i32, i32) {
    %c0_i32 = arith.constant 0 : i32
    %c0_i32_0 = arith.constant 0 : i32
    %c0_i32_1 = arith.constant 0 : i32
    return %c0_i32, %c0_i32_0 : i32, i32
  }
  func.func @transform_13(%arg0: i32) -> (i32, i32) {
    %c0_i32 = arith.constant 0 : i32
    %c0_i32_0 = arith.constant 0 : i32
    %c0_i32_1 = arith.constant 0 : i32
    return %c0_i32, %c0_i32_0 : i32, i32
  }
  func.func @transform_14(%arg0: i32) -> (i32, i32) {
    %c0_i32 = arith.constant 0 : i32
    %c0_i32_0 = arith.constant 0 : i32
    %c0_i32_1 = arith.constant 0 : i32
    return %c0_i32, %c0_i32_0 : i32, i32
  }
  func.func @transform_15(%arg0: i32) -> (i32, i32) {
    %c0_i32 = arith.constant 0 : i32
    %c0_i32_0 = arith.constant 0 : i32
    %c0_i32_1 = arith.constant 0 : i32
    return %c0_i32, %c0_i32_0 : i32, i32
  }
  func.func @transform_16(%arg0: i32) -> (i32, i32) {
    %c0_i32 = arith.constant 0 : i32
    %c0_i32_0 = arith.constant 0 : i32
    %c0_i32_1 = arith.constant 0 : i32
    return %c0_i32, %c0_i32_0 : i32, i32
  }
  func.func @transform_17(%arg0: i32) -> (i32, i32) {
    %c0_i32 = arith.constant 0 : i32
    %c0_i32_0 = arith.constant 0 : i32
    %c0_i32_1 = arith.constant 0 : i32
    return %c0_i32, %c0_i32_0 : i32, i32
  }
  func.func @transform_18(%arg0: i32) -> (i32, i32) {
    %c0_i32 = arith.constant 0 : i32
    %c0_i32_0 = arith.constant 0 : i32
    %c0_i32_1 = arith.constant 0 : i32
    return %c0_i32, %c0_i32_0 : i32, i32
  }
  func.func @transform_19(%arg0: i32) -> (i32, i32) {
    %c0_i32 = arith.constant 0 : i32
    %c0_i32_0 = arith.constant 0 : i32
    %c0_i32_1 = arith.constant 0 : i32
    return %c0_i32, %c0_i32_0 : i32, i32
  }
  func.func @transform_20(%arg0: i32) -> (i32, i32) {
    %c0_i32 = arith.constant 0 : i32
    %c0_i32_0 = arith.constant 0 : i32
    %c0_i32_1 = arith.constant 0 : i32
    return %c0_i32, %c0_i32_0 : i32, i32
  }
  func.func @transform_21(%arg0: i32) -> (i32, i32) {
    %c0_i32 = arith.constant 0 : i32
    %c0_i32_0 = arith.constant 0 : i32
    %c0_i32_1 = arith.constant 0 : i32
    return %c0_i32, %c0_i32_0 : i32, i32
  }
  func.func @transform_22(%arg0: i32) -> (i32, i32) {
    %c0_i32 = arith.constant 0 : i32
    %c0_i32_0 = arith.constant 0 : i32
    %c0_i32_1 = arith.constant 0 : i32
    return %c0_i32, %c0_i32_0 : i32, i32
  }
  func.func @transform_23(%arg0: i32) -> (i32, i32) {
    %c0_i32 = arith.constant 0 : i32
    %c0_i32_0 = arith.constant 0 : i32
    return %arg0, %c0_i32 : i32, i32
  }
  func.func @transform_24(%arg0: i32) -> (i32, i32) {
    %c0_i32 = arith.constant 0 : i32
    %c0_i32_0 = arith.constant 0 : i32
    %c0_i32_1 = arith.constant 0 : i32
    return %c0_i32, %c0_i32_0 : i32, i32
  }
}

</mosaic_0001>

<sc_bundles>
// kernel: gather_offload_async_start
scs
__scs_entry_jumppad:
0x0: {  	(pc) =	sbr.rel $0x88, $3  }
0x1: {  	(tag) =	ssettag $0x0;
	lr =	simm.s32 $0x1  }
0x2: {  	[smem:$0x3F8D] =	sst lr;
	_ =	strace $0xD0000000  }
0x3: {  	_ = 	snop  }
0x4: {  	_ = 	snop  }
0x5: {  	_ = 	snop  }
0x6: {  	_ = 	snop  }
0x7: {  	_ = 	snop  }
__scs_overlays_trampoline_lowered:
0x8: {  	[smem:$0x3F9C] =	sst s0  }
0x9: {  	[smem:$0x3F9D] =	sst s1  }
0xa: {  	[smem:$0x3F9E] =	sst s2  }
0xb: {  	[smem:$0x3F9F] =	sst s3  }
0xc: {  	[smem:$0x3FA0] =	sst s4  }
0xd: {  	[smem:$0x3FA1] =	sst s5  }
0xe: {  	[smem:$0x3FA2] =	sst s6  }
0xf: {  	[smem:$0x3FA3] =	sst s7  }
0x10: {  	[smem:$0x3FA4] =	sst s8  }
0x11: {  	[smem:$0x3FA5] =	sst s9;
	s0 =	simm.s32 @!p0 $0x0  }
0x12: {  	s1 =	sld [smem:$0x3F8B];
	s0 =	simm.s32 @p0 $0x1  }
0x13: {  	[smem:$0x3FA6] =	sst s0;
	s0 =	simm.s32 @!p1 $0x0  }
0x14: {  	s2 =	sld [smem:$0x3F8A];
	s0 =	simm.s32 @p1 $0x1  }
0x15: {  	[smem:$0x3FA7] =	sst s0;
	s0 =	simm.s32 @!p2 $0x0  }
0x16: {  	s3 =	sld [smem:$0x3FDB];
	s0 =	simm.s32 @p2 $0x1  }
0x17: {  	s4 =	simm.s32 $0x1BF5;
	[smem:$0x3FA9] =	sst s0  }
0x18: {  	s0 =	sld [smem:$0x3F8C];
	_ =	swait.ge [sflag:s4], $0x0  }
0x19: {  	s7 =	sld [smem:$0x3F8D]  }
0x1a: {  	s8 =	sadd.s32 $0xFFFFE003, lr  }
0x1b: {  	s9 =	sadd.s32 $0xFFFFFEF7, lr;
	s5 =	simm.s32 $0xFFFFFFFF;
	p2 =	slt.u32 s8, $0xFFFFF086  }
0x1c: {  	p1 =	slt.u32 s9, $0xF7A;
	s5 =	simm.s32 @!p2 $0x0  }
0x1d: {  	s5 =	simm.s32 @p1 $0x1;
	p0 =	seq.s32 s7, s2  }
0x1e: {  	s7 =	smul.u32 @!p0 $0xF7A, s2;
	p2 =	seq.s32 @!p0 s5, $0x0  }
0x1f: {  	s9 =	smul.u32 $0xF7A, s1;
	s8 =	simm.s32 @!p0 $0x1BF5;
	p2 =	por !p2, p0  }
0x20: {  	[sflag:s8] =	ssyncset.s32 @!p0 $0xFFFFF086;
	s6 =	sadd.s32 @!p0 s3, s7;
	s7 =	simm.s32 @!p0 $0x108  }
0x21: {  	s3 =	sadd.s32 s3, s9;
	s6 =	sadd.s32 @!p0 $0x88, s6;
	s7 =	simm.s32 @p2 $0x1082  }
0x22: {  	[simem:s7], [sflag:s8] =	dma.local @!p0 [hbm:s6], $0xF7A  }
0x23: {  	s9 =	sor.u32 $0xD0000000, s2;
	s6 =	simm.s32 $0x108;
	_ =	swait.ge @!p0 [sflag:s8], $0x0  }
0x24: {  	s3 =	sadd.s32 $0x88, s3;
	s6 =	simm.s32 @!p1 $0x1082;
	[sflag:s4] =	ssyncset.s32 $0xFFFFF086  }
0x25: {  	[simem:s6], [sflag:s4] =	dma.local [hbm:s3], $0xF7A  }
0x26: {  	[smem:$0x3F8D] =	sst s1;
	(tag) =	ssettag s2;
	_ =	strace s9  }
0x27: {  	s1 =	sld [smem:$0x3F9D]  }
0x28: {  	s2 =	sld [smem:$0x3F9E]  }
0x29: {  	s4 =	sld [smem:$0x3FA0]  }
0x2a: {  	p0 =	seq.s32 s5, $0x0;
	s5 =	sld [smem:$0x3FA1]  }
0x2b: {  	s6 =	sld [smem:$0x3FA2]  }
0x2c: {  	s7 =	sld [smem:$0x3FA3]  }
0x2d: {  	s3 =	simm.s32 $0x108;
	s8 =	sld [smem:$0x3FA4]  }
0x2e: {  	s3 =	simm.s32 @!p0 $0x1082;
	s9 =	sld [smem:$0x3FA5]  }
0x2f: {  	lr =	sadd.s32 s0, s3;
	s0 =	sld [smem:$0x3F9C]  }
0x30: {  	s3 =	sld [smem:$0x3F9F]  }
0x31: {  	[smem:$0x3FA8] =	sst s10  }
0x32: {  	s10 =	sld [smem:$0x3FA6];
	_ =	sdelay $0x3  }
0x33: {  	p0 =	seq.s32 s10, $0x1;
	s10 =	sld [smem:$0x3FA8];
	_ =	sdelay $0x3  }
0x34: {  	[smem:$0x3FA8] =	sst s10  }
0x35: {  	s10 =	sld [smem:$0x3FA7];
	_ =	sdelay $0x3  }
0x36: {  	p1 =	seq.s32 s10, $0x1;
	s10 =	sld [smem:$0x3FA8];
	_ =	sdelay $0x3  }
0x37: {  	[smem:$0x3FA8] =	sst s10  }
0x38: {  	s10 =	sld [smem:$0x3FA9]  }
0x39: {  	_ = 	snop;
	(pc) =	sbr.ind lr, $3  }
0x3a: {  	_ = 	snop  }
0x3b: {  	_ = 	snop  }
0x3c: {  	p2 =	seq.s32 s10, $0x1;
	s10 =	sld [smem:$0x3FA8]  }
0x3d: {  	_ =	shalt  }
0x3e: {  	_ =	shalt  }
0x3f: {  	_ =	shalt  }
0x40: {  	_ =	shalt  }
0x41: {  	_ =	shalt  }
0x42: {  	_ =	shalt  }
0x43: {  	_ =	shalt  }
0x44: {  	_ =	shalt  }
0x45: {  	_ =	shalt  }
0x46: {  	_ =	shalt  }
0x47: {  	_ =	shalt  }
0x48: {  	_ =	shalt  }
0x49: {  	_ =	shalt  }
0x4a: {  	_ =	shalt  }
0x4b: {  	_ =	shalt  }
0x4c: {  	_ =	shalt  }
0x4d: {  	_ =	shalt  }
0x4e: {  	_ =	shalt  }
0x4f: {  	_ =	shalt  }
0x50: {  	_ =	shalt  }
0x51: {  	_ =	shalt  }
0x52: {  	_ =	shalt  }
0x53: {  	_ =	shalt  }
0x54: {  	_ =	shalt  }
0x55: {  	_ =	shalt  }
0x56: {  	_ =	shalt  }
0x57: {  	_ =	shalt  }
0x58: {  	_ =	shalt  }
0x59: {  	_ =	shalt  }
0x5a: {  	_ =	shalt  }
0x5b: {  	_ =	shalt  }
0x5c: {  	_ =	shalt  }
0x5d: {  	_ =	shalt  }
0x5e: {  	_ =	shalt  }
0x5f: {  	_ =	shalt  }
0x60: {  	_ =	shalt  }
0x61: {  	_ =	shalt  }
0x62: {  	_ =	shalt  }
0x63: {  	_ =	shalt  }
0x64: {  	_ =	shalt  }
0x65: {  	_ =	shalt  }
0x66: {  	_ =	shalt  }
0x67: {  	_ =	shalt  }
0x68: {  	_ =	shalt  }
0x69: {  	_ =	shalt  }
0x6a: {  	_ =	shalt  }
0x6b: {  	_ =	shalt  }
0x6c: {  	_ =	shalt  }
0x6d: {  	_ =	shalt  }
0x6e: {  	_ =	shalt  }
0x6f: {  	_ =	shalt  }
0x70: {  	_ =	shalt  }
0x71: {  	_ =	shalt  }
0x72: {  	_ =	shalt  }
0x73: {  	_ =	shalt  }
0x74: {  	_ =	shalt  }
0x75: {  	_ =	shalt  }
0x76: {  	_ =	shalt  }
0x77: {  	_ =	shalt  }
0x78: {  	_ =	shalt  }
0x79: {  	_ =	shalt  }
0x7a: {  	_ =	shalt  }
0x7b: {  	_ =	shalt  }
0x7c: {  	_ =	shalt  }
0x7d: {  	_ =	shalt  }
0x7e: {  	_ =	shalt  }
0x7f: {  	_ =	shalt  }
0x80: {  	_ =	shalt  }
0x81: {  	_ =	shalt  }
0x82: {  	_ =	shalt  }
0x83: {  	_ =	shalt  }
0x84: {  	_ =	shalt  }
0x85: {  	_ =	shalt  }
0x86: {  	_ =	shalt  }
0x87: {  	_ =	shalt  }
.Lfunc_end0:
.L_simem_size_0:
called_computation_lowered:
.L_overlay_start_0:
0x88: {  	s2 =	sld [smem:$0x3FD9]  }
0x89: {  	s3 =	sld [smem:$0x3FFE];
	_ =	sdelay $0x1  }
0x8a: {  	s1 =	srdreg.scid  }
0x8b: {  	s0 =	sand.u32 $0x1, s1  }
0x8c: {  	s16 =	sshll.u32 s0, $0xA;
	s2 =	sadd.s32 s3, s2  }
0x8d: {  	s2 =	sadd.s32 s2, s16  }
0x8e: {  	[smem:$0x3FB4] =	sst s2  }
0x8f: {  	_ = 	snop  }
0x90: {  	(tm) =	ssettm $0x1  }
0x91: {  	s17 =	sld [smem:$0x3FFB];
	_ =	sdelay $0x3  }
0x92: {  	_ =	strace s17  }
0x93: {  	s2 =	sld [smem:$0x3FFC];
	_ =	sdelay $0x3  }
0x94: {  	_ =	strace s2  }
0x95: {  	s2 =	sld [smem:$0x3FFD];
	_ =	sdelay $0x3  }
0x96: {  	_ =	strace s2  }
0x97: {  	_ =	strace $0x8FFFFFFF  }
0x98: {  	s18 =	sld [smem:$0x3FDB];
	_ =	sdelay $0x1  }
0x99: {  	s19 =	simm.s32 $_scs_section_size  }
0x9a: {  	s4 =	simm.s32 $_size__tile_overlayer_lowered;
	s5 =	simm.s32 $_tile_overlayer_lowered  }
0x9b: {  	s22 =	simm.s32 $0x1BFF;
	s21 =	sshll.u32 s5, $0x1;
	s2 =	sadd.s32 s19, s18  }
0x9c: {  	s6 =	simm.s32 $0x0;
	s20 =	sshll.u32 s4, $0x1;
	s4 =	sadd.s32 s21, s2  }
0x9d: {  	[timem:s6], [sflag:s22] =	dma.local [hbm:s4], s20  }
0x9e: {  	_ =	swait.ge [sflag:s22], s20  }
0x9f: {  	s3 =	ssub.s32 $0x0, s20;
	[sflag:s22] =	ssyncset.done $0x0  }
0xa0: {  	[sflag:s22] =	ssyncadd.s32 s3;
	_ =	sdelay $0x1  }
0xa1: {  	s23 =	simm.s32 $0x1B8B  }
0xa2: {  	_ =	swait.ge [sflag:s23], $0x1  }
0xa3: {  	[sflag:s23] =	ssyncset.done $0x0  }
0xa4: {  	s25 =	simm.s32 $0x1B8E;
	s24 =	sld [smem:$0x3FFE];
	[sflag:s23] =	ssyncadd.s32 $0xFFFFFFFF  }
0xa5: {  	s26 =	simm.s32 $execute0_lowered;
	[smem:$0x3FD2] =	sst s25  }
0xa6: {  	s4 =	sshll.u32 s26, $0x1;
	_ =	strace $0x80000046;
	[dreg:$0x1] =	wrdreg $0xFFFFFFFF  }
0xa7: {  	s28 =	simm.s32 $_size_execute0_lowered;
	s2 =	sadd.s32 s2, s4;
	[dreg:$0x0] =	wrdreg $0x0  }
0xa8: {  	s4 =	sshll.u32 s28, $0x1;
	[dreg:$0x2] =	wrdreg s2  }
0xa9: {  	[dreg:$0x3] =	wrdreg s4  }
0xaa: {  	[dreg:$0x4] =	wrdreg $0xC0  }
0xab: {  	_ =	task [dreg:s6], $0x5FFFF  }
0xac: {  	[dreg:$0x1] =	wrdreg $0xFFFFFFFF  }
0xad: {  	[dreg:$0x0] =	wrdreg $0x60  }
0xae: {  	[dreg:$0x2] =	wrdreg s24  }
0xaf: {  	[dreg:$0x3] =	wrdreg $0x9  }
0xb0: {  	_ =	task.clear_ibuf [dreg:s6], $0x4FFFF;
	_ =	strace $0x90000046  }
0xb1: {  	s29 =	simm.s32 $0x9;
	_ =	strace $0x80000048  }
0xb2: {  	_ =	swait.ge [sflag:s29], $0x1  }
0xb3: {  	[sflag:s29] =	ssyncadd.s32 $0xFFFFFFFF  }
0xb4: {  	_ =	strace $0x90000048  }
0xb5: {  	_ =	sfence  }
0xb6: {  	s30 =	sld [smem:$0x0];
	_ =	sdelay $0x2  }
0xb7: {  	s31 =	sshll.u32 s1, $0xD;
	s1 =	sshrl.u32 s1, $0x2  }
0xb8: {  	s3 =	sand.u32 $0x4000, s31;
	s1 =	sadd.s32 s1, s30  }
0xb9: {  	s0 =	sor.u32 s3, s0;
	s1 =	sshll.u32 s1, $0x11  }
0xba: {  	s0 =	sor.u32 s1, s0  }
0xbb: {  	s0 =	sadd.s32 $0x8F2B, s0  }
0xbc: {  	[sflag:s0] =	ssyncadd.remote.s32 $0x1  }
0xbd: {  	_ =	sfence.sel $0xFFFF  }
0xbe: {  	[dreg:$0x0] =	wrdreg $0xFFFFFFFF;
	(pc) =	sbr.abs _section_cstart, $3  }
0xbf: {  	[dreg:$0x1] =	wrdreg $0xFFFFFFFF  }
0xc0: {  	_ =	task.clear_ibuf [dreg:s6], $0x2FFFF;
	_ =	strace $0x9FFFFFFF  }
0xc1: {  	(tm) =	ssettm $0x7FFFFFFF  }
tec
execute0_lowered:
.L_overlay_start_1:
0x0: {  	(tag) =	ssettag $0x1  }
0x1: {  	s7 =	rddreg [dreg:$0x0]  }
0x2: {  	s0 =	rddreg [dreg:$0x1];
	_ =	strace $0x80000047  }
0x3: {  	s1 =	srdreg.scid;
	s4 =	simm.s32 $0x1;
	s9 =	simm.s32 $0x3  }
0x4: {  	s12 =	simm.s32 $0x0;
	s10 =	simm.s32 $0x0;
	s5 =	sshll.u32 s1, $0x4  }
.Ltmp0:
0x5: {  	s1 =	stileid.u32;
	s5 =	sand.u32 $0x10, s5;
	(pc) =	sbr.rel .LBB2_1-.Ltmp0, $4  }
0x6: {  	s2 =	sadd.s32 $0x3800, s7;
	s3 =	sadd.s32 $0x497600, s7;
	s6 =	sor.u32 s1, s5  }
0x7: {  	[sflag:s4] =	ssyncpa.u1 $0x0;
	s5 =	simm.s32 $0x2;
	s6 =	sshll.u32 s6, $0x7  }
0x8: {  	s7 =	sadd.s32 $0x497800, s7;
	[sflag:s5] =	ssyncpa.u1 $0x0;
	s8 =	sadd.s32 $0x80, s6  }
0x9: {  	vm0 =	vmmov $0xff;
	vm1 =	vcmask $0x3F20;
	[sflag:s9] =	ssyncpa.u1 $0x0;
	s9 =	simm.s32 $0x80;
	s11 =	smov.u32 s6  }
.LBB2_11:
0xa: {  	p0 =	seq.s32 s10, $0x2  }
.Ltmp1:
0xb: {  	_ = 	snop;
	(pc) =	sbr.rel @p0 .LBB2_13-.Ltmp1, $1  }
0xc: {  	_ =	sdelay $0x3  }
.LBB2_12:
0xd: {  	s12 =	sadd.s32 $0x80, s11  }
0xe: {  	s13 =	smov.u32 s6;
	p0 =	slt.s32 s12, s8  }
0xf: {  	s13 =	smov.u32 @p0 s12  }
0x10: {  	s10 =	sadd.s32 $0x1, s10;
	s12 =	smov.u32 s11;
	s11 =	smov.u32 s13  }
.LBB2_1:
0x11: {  	p0 =	sne.s32 s10, $0x0  }
.Ltmp2:
0x12: {  	_ = 	snop;
	(pc) =	sbr.rel @!p0 .LBB2_2-.Ltmp2, $1  }
0x13: {  	_ =	sdelay $0x3  }
0x14: {  	s13 =	sand.u32 $0x1, s10  }
0x15: {  	p0 =	seq.s32 s13, $0x0  }
.Ltmp3:
0x16: {  	_ = 	snop;
	(pc) =	sbr.rel @p0 .LBB2_11-.Ltmp3, $1  }
0x17: {  	_ =	sdelay $0x3  }
0x18: {  	_ =	swait.ge [sflag:s5], $0x80  }
0x19: {  	[sflag:s5] =	ssyncset.done $0x0  }
0x1a: {  	s13 =	simm.s32 $0x0;
	s14 =	simm.s32 $0x100;
	[sflag:s5] =	ssyncadd.s32 $0xFFFFFF80  }
.LBB2_5:
0x1b: {  	s15 =	sshll.u32 s13, $0x4  }
0x1c: {  	s15 =	sand.u32 $0x3FFFFFF0, s15  }
0x1d: {  	v0 =	vld.msk [tilespmem:s15+$0x80 ss:$0x1], $0xffff;
	_ =	sdelay $0x4  }
0x1e: {  	vm2 =	vgt.s32 v0, $0x0  }
0x1f: {  	v0 =	vnsel vm2, $0x0, v0  }
0x20: {  	v0 =	vmin.u32 v0, $0x1869F  }
0x21: {  	v1 =	vshrl.u32 v0, $0x3  }
0x22: {  	v0 =	vshll.u32 v0, $0x7;
	v1 =	vmul.u32 $0xC00, v1  }
0x23: {  	v0 =	vand.u32 $0x380, v0  }
0x24: {  	v0 =	vor.u32 v0, v1  }
0x25: {  	v0 =	vshrl.u32 v0, $0x3;
	_ =	sdelay $0x2  }
0x26: {  	s16 =	sadd.s32 $0xFFFFF400, s14  }
0x27: {  	s31 =	sadd.s32 $0xCC00, s16;
	s16 =	sadd.s32 $0xD800, s16;
	s15 =	simm.s32 $0xFFFFE000  }
0x28: {  	v1 =	vadd.s32 $0x80, v0;
	[tilespmem:s31], [sflag:$0x1] =	stream.indirect_vreg.gather [hbm:s2], $0x80, v0, vm0, $0x38;
	[tilespmem:$0x18100] =	vst v63  }
.LBB2_6:
0x29: {  	[tilespmem:s16], [sflag:$0x1] =	stream.indirect_vreg.gather [hbm:s2], $0x80, v0, vm1, $0x38;
	[tilespmem:$0x18100] =	vst v63  }
0x2a: {  	v0 =	vmov v1;
	p0 =	sne.s32 s15, $0xFFFFF000  }
.Ltmp4:
0x2b: {  	s16 =	sshra.s32 s15, $0x2;
	(pc) =	sbr.rel @p0 .LBB2_6-.Ltmp4, $4  }
0x2c: {  	s15 =	sadd.s32 $0x1000, s15;
	s16 =	sadd.s32 s16, s14  }
0x2d: {  	s17 =	sadd.s32 $0xCC00, s16  }
0x2e: {  	[tilespmem:s17], [sflag:$0x1] =	stream.indirect_vreg.gather [hbm:s2], $0x80, v1, vm0, $0x38;
	[tilespmem:$0x18100] =	vst v63  }
0x2f: {  	s16 =	sadd.s32 $0xD800, s16;
	v1 =	vadd.s32 $0x80, v1  }
0x30: {  	s13 =	sadd.s32 $0x1, s13  }
0x31: {  	p0 =	sne.s32 s13, $0x8  }
.Ltmp5:
0x32: {  	_ = 	snop;
	(pc) =	sbr.rel @p0 .LBB2_5-.Ltmp5, $3  }
0x33: {  	_ =	sdelay $0x1  }
0x34: {  	[tilespmem:s16], [sflag:$0x1] =	stream.indirect_vreg.gather [hbm:s2], $0x80, v0, vm1, $0x38;
	[tilespmem:$0x18100] =	vst v63  }
0x35: {  	s14 =	sadd.s32 $0x1800, s14  }
0x36: {  	s13 =	sshrl.u32 s12, $0x3  }
0x37: {  	s13 =	smul.u32 $0x180, s13  }
0x38: {  	_ =	swait.ge [sflag:s4], $0xC000;
	s31 =	sshll.u32 s12, $0x4  }
0x39: {  	s14 =	simm.s32 $0x180;
	s12 =	sand.u32 $0x70, s31;
	s13 =	sadd.s32 s13, s7  }
0x3a: {  	s15 =	simm.s32 $0xCD00;
	[sflag:s4] =	ssyncset.done $0x0;
	s12 =	sadd.s32 s12, s13  }
0x3b: {  	[sflag:s4] =	ssyncadd.s32 $0xFFFF4000;
	s13 =	simm.s32 $0xC100;
	s16 =	sadd.s32 $0x0, s12  }
.LBB2_9:
0x3c: {  	[hbm:s16] =	stream.linear.scatter [tilespmem:s13], [sflag:$0x3], $0xC00, $0x38;
	[tilespmem:$0x18100] =	vst v63  }
0x3d: {  	s16 =	smov.u32 s14;
	s13 =	smov.u32 s15;
	p0 =	sne.s32 s14, $0x1680  }
.Ltmp6:
0x3e: {  	s14 =	sadd.s32 $0x180, s14;
	(pc) =	sbr.rel @p0 .LBB2_9-.Ltmp6, $2  }
0x3f: {  	_ =	sdelay $0x2  }
0x40: {  	s15 =	sadd.s32 $0xC00, s15;
	s16 =	sadd.s32 s16, s12  }
.Ltmp7:
0x41: {  	(pc) =	sbr.rel .LBB2_11-.Ltmp7, $2  }
0x42: {  	_ =	sdelay $0x2  }
0x43: {  	[hbm:s16] =	stream.linear.scatter [tilespmem:s13], [sflag:$0x3], $0xC00, $0x38;
	[tilespmem:$0x18100] =	vst v63  }
.LBB2_2:
.Ltmp8:
0x44: {  	(pc) =	sbr.rel .LBB2_12-.Ltmp8, $4  }
0x45: {  	_ = 	snop  }
0x46: {  	s12 =	sshrl.u32 s11, $0x3  }
0x47: {  	s13 =	sand.u32 $0x7, s11;
	s12 =	sadd.s32 s3, s12  }
0x48: {  	[tilespmem:s9], [sflag:$0x2] =	stream.linear.gather [hbm4b:s12+s13], $0x80, $0x38;
	[tilespmem:$0x18100] =	vst v63  }
.LBB2_13:
0x49: {  	s2 =	simm.s32 $0x3  }
0x4a: {  	_ =	swait.ge [sflag:s2], $0xC000  }
0x4b: {  	[sflag:s2] =	ssyncset.done $0x0  }
0x4c: {  	[sflag:s2] =	ssyncadd.s32 $0xFFFF4000  }
0x4d: {  	_ =	sfence.sel $0x180000  }
0x4e: {  	s3 =	simm.s32 $0x2;
	[bflag:$0x0] =	sbarrier.arrive $0xFFFF  }
0x4f: {  	[sflag:s3] =	ssyncpa.u1 $0x1  }
0x50: {  	s31 =	simm.s32 $0x1;
	[sflag:s2] =	ssyncpa.u1 $0x1  }
0x51: {  	[sflag:s31] =	ssyncpa.u1 $0x1  }
0x52: {  	p0 =	sne.s32 s1, $0x0;
	_ =	strace $0x90000047  }
0x53: {  	s0 =	sadd.s32 @!p0 $0x100000, s0;
	[bflag:$0x2] =	sbarrier.arrive $0xFFFF  }
0x54: {  	[sflag:s0] =	ssyncadd.tile.s32 @!p0 $0x1;
	_ =	shalt  }
.Lfunc_end2:
_tile_overlayer_lowered:
.L_overlay_start_2:
0x55: {  	(tag) =	ssettag $0x2  }
0x56: {  	s0 =	rddreg [dreg:$0x0];
	s2 =	stileid.u32  }
0x57: {  	s1 =	rddreg [dreg:$0x1];
	p0 =	sne.s32 s2, $0x0  }
0x58: {  	s3 =	rddreg [dreg:$0x2];
	[bflag:$0x3] =	sbarrier.arrive $0xFFFF;
	s2 =	simm.s32 @!p0 $0x1C01  }
0x59: {  	[timem:s3], [sflag:s2] =	dma.local @!p0 [hbm:s0], s1  }
0x5a: {  	s0 =	simm.s32 @!p0 $0x1  }
0x5b: {  	_ =	swait.ge @!p0 [sflag:s0], s1  }
0x5c: {  	s1 =	ssub.s32 @!p0 $0x0, s1;
	[sflag:s0] =	ssyncset.done @!p0 $0x0  }
0x5d: {  	[sflag:s0] =	ssyncadd.s32 @!p0 s1  }
0x5e: {  	[bflag:$0x3] =	sbarrier.arrive $0xFFFF  }
0x5f: {  	_ =	shalt  }

// kernel: kernel.5.cloned.1.call-start
scs
__scs_entry_jumppad:
0x0: {  	(pc) =	sbr.rel $0x88, $3  }
0x1: {  	(tag) =	ssettag $0x0;
	lr =	simm.s32 $0x1  }
0x2: {  	[smem:$0x3F8D] =	sst lr;
	_ =	strace $0xD0000000  }
0x3: {  	_ = 	snop  }
0x4: {  	_ = 	snop  }
0x5: {  	_ = 	snop  }
0x6: {  	_ = 	snop  }
0x7: {  	_ = 	snop  }
__scs_overlays_trampoline_lowered:
0x8: {  	[smem:$0x3F9C] =	sst s0  }
0x9: {  	[smem:$0x3F9D] =	sst s1  }
0xa: {  	[smem:$0x3F9E] =	sst s2  }
0xb: {  	[smem:$0x3F9F] =	sst s3  }
0xc: {  	[smem:$0x3FA0] =	sst s4  }
0xd: {  	[smem:$0x3FA1] =	sst s5  }
0xe: {  	[smem:$0x3FA2] =	sst s6  }
0xf: {  	[smem:$0x3FA3] =	sst s7  }
0x10: {  	[smem:$0x3FA4] =	sst s8  }
0x11: {  	[smem:$0x3FA5] =	sst s9;
	s0 =	simm.s32 @!p0 $0x0  }
0x12: {  	s1 =	sld [smem:$0x3F8B];
	s0 =	simm.s32 @p0 $0x1  }
0x13: {  	[smem:$0x3FA6] =	sst s0;
	s0 =	simm.s32 @!p1 $0x0  }
0x14: {  	s2 =	sld [smem:$0x3F8A];
	s0 =	simm.s32 @p1 $0x1  }
0x15: {  	[smem:$0x3FA7] =	sst s0;
	s0 =	simm.s32 @!p2 $0x0  }
0x16: {  	s3 =	sld [smem:$0x3FDB];
	s0 =	simm.s32 @p2 $0x1  }
0x17: {  	s4 =	simm.s32 $0x1BF5;
	[smem:$0x3FA9] =	sst s0  }
0x18: {  	s0 =	sld [smem:$0x3F8C];
	_ =	swait.ge [sflag:s4], $0x0  }
0x19: {  	s7 =	sld [smem:$0x3F8D]  }
0x1a: {  	s8 =	sadd.s32 $0xFFFFE003, lr  }
0x1b: {  	s9 =	sadd.s32 $0xFFFFFEF7, lr;
	s5 =	simm.s32 $0xFFFFFFFF;
	p2 =	slt.u32 s8, $0xFFFFF086  }
0x1c: {  	p1 =	slt.u32 s9, $0xF7A;
	s5 =	simm.s32 @!p2 $0x0  }
0x1d: {  	s5 =	simm.s32 @p1 $0x1;
	p0 =	seq.s32 s7, s2  }
0x1e: {  	s7 =	smul.u32 @!p0 $0xF7A, s2;
	p2 =	seq.s32 @!p0 s5, $0x0  }
0x1f: {  	s9 =	smul.u32 $0xF7A, s1;
	s8 =	simm.s32 @!p0 $0x1BF5;
	p2 =	por !p2, p0  }
0x20: {  	[sflag:s8] =	ssyncset.s32 @!p0 $0xFFFFF086;
	s6 =	sadd.s32 @!p0 s3, s7;
	s7 =	simm.s32 @!p0 $0x108  }
0x21: {  	s3 =	sadd.s32 s3, s9;
	s6 =	sadd.s32 @!p0 $0x88, s6;
	s7 =	simm.s32 @p2 $0x1082  }
0x22: {  	[simem:s7], [sflag:s8] =	dma.local @!p0 [hbm:s6], $0xF7A  }
0x23: {  	s9 =	sor.u32 $0xD0000000, s2;
	s6 =	simm.s32 $0x108;
	_ =	swait.ge @!p0 [sflag:s8], $0x0  }
0x24: {  	s3 =	sadd.s32 $0x88, s3;
	s6 =	simm.s32 @!p1 $0x1082;
	[sflag:s4] =	ssyncset.s32 $0xFFFFF086  }
0x25: {  	[simem:s6], [sflag:s4] =	dma.local [hbm:s3], $0xF7A  }
0x26: {  	[smem:$0x3F8D] =	sst s1;
	(tag) =	ssettag s2;
	_ =	strace s9  }
0x27: {  	s1 =	sld [smem:$0x3F9D]  }
0x28: {  	s2 =	sld [smem:$0x3F9E]  }
0x29: {  	s4 =	sld [smem:$0x3FA0]  }
0x2a: {  	p0 =	seq.s32 s5, $0x0;
	s5 =	sld [smem:$0x3FA1]  }
0x2b: {  	s6 =	sld [smem:$0x3FA2]  }
0x2c: {  	s7 =	sld [smem:$0x3FA3]  }
0x2d: {  	s3 =	simm.s32 $0x108;
	s8 =	sld [smem:$0x3FA4]  }
0x2e: {  	s3 =	simm.s32 @!p0 $0x1082;
	s9 =	sld [smem:$0x3FA5]  }
0x2f: {  	lr =	sadd.s32 s0, s3;
	s0 =	sld [smem:$0x3F9C]  }
0x30: {  	s3 =	sld [smem:$0x3F9F]  }
0x31: {  	[smem:$0x3FA8] =	sst s10  }
0x32: {  	s10 =	sld [smem:$0x3FA6];
	_ =	sdelay $0x3  }
0x33: {  	p0 =	seq.s32 s10, $0x1;
	s10 =	sld [smem:$0x3FA8];
	_ =	sdelay $0x3  }
0x34: {  	[smem:$0x3FA8] =	sst s10  }
0x35: {  	s10 =	sld [smem:$0x3FA7];
	_ =	sdelay $0x3  }
0x36: {  	p1 =	seq.s32 s10, $0x1;
	s10 =	sld [smem:$0x3FA8];
	_ =	sdelay $0x3  }
0x37: {  	[smem:$0x3FA8] =	sst s10  }
0x38: {  	s10 =	sld [smem:$0x3FA9]  }
0x39: {  	_ = 	snop;
	(pc) =	sbr.ind lr, $3  }
0x3a: {  	_ = 	snop  }
0x3b: {  	_ = 	snop  }
0x3c: {  	p2 =	seq.s32 s10, $0x1;
	s10 =	sld [smem:$0x3FA8]  }
0x3d: {  	_ =	shalt  }
0x3e: {  	_ =	shalt  }
0x3f: {  	_ =	shalt  }
0x40: {  	_ =	shalt  }
0x41: {  	_ =	shalt  }
0x42: {  	_ =	shalt  }
0x43: {  	_ =	shalt  }
0x44: {  	_ =	shalt  }
0x45: {  	_ =	shalt  }
0x46: {  	_ =	shalt  }
0x47: {  	_ =	shalt  }
0x48: {  	_ =	shalt  }
0x49: {  	_ =	shalt  }
0x4a: {  	_ =	shalt  }
0x4b: {  	_ =	shalt  }
0x4c: {  	_ =	shalt  }
0x4d: {  	_ =	shalt  }
0x4e: {  	_ =	shalt  }
0x4f: {  	_ =	shalt  }
0x50: {  	_ =	shalt  }
0x51: {  	_ =	shalt  }
0x52: {  	_ =	shalt  }
0x53: {  	_ =	shalt  }
0x54: {  	_ =	shalt  }
0x55: {  	_ =	shalt  }
0x56: {  	_ =	shalt  }
0x57: {  	_ =	shalt  }
0x58: {  	_ =	shalt  }
0x59: {  	_ =	shalt  }
0x5a: {  	_ =	shalt  }
0x5b: {  	_ =	shalt  }
0x5c: {  	_ =	shalt  }
0x5d: {  	_ =	shalt  }
0x5e: {  	_ =	shalt  }
0x5f: {  	_ =	shalt  }
0x60: {  	_ =	shalt  }
0x61: {  	_ =	shalt  }
0x62: {  	_ =	shalt  }
0x63: {  	_ =	shalt  }
0x64: {  	_ =	shalt  }
0x65: {  	_ =	shalt  }
0x66: {  	_ =	shalt  }
0x67: {  	_ =	shalt  }
0x68: {  	_ =	shalt  }
0x69: {  	_ =	shalt  }
0x6a: {  	_ =	shalt  }
0x6b: {  	_ =	shalt  }
0x6c: {  	_ =	shalt  }
0x6d: {  	_ =	shalt  }
0x6e: {  	_ =	shalt  }
0x6f: {  	_ =	shalt  }
0x70: {  	_ =	shalt  }
0x71: {  	_ =	shalt  }
0x72: {  	_ =	shalt  }
0x73: {  	_ =	shalt  }
0x74: {  	_ =	shalt  }
0x75: {  	_ =	shalt  }
0x76: {  	_ =	shalt  }
0x77: {  	_ =	shalt  }
0x78: {  	_ =	shalt  }
0x79: {  	_ =	shalt  }
0x7a: {  	_ =	shalt  }
0x7b: {  	_ =	shalt  }
0x7c: {  	_ =	shalt  }
0x7d: {  	_ =	shalt  }
0x7e: {  	_ =	shalt  }
0x7f: {  	_ =	shalt  }
0x80: {  	_ =	shalt  }
0x81: {  	_ =	shalt  }
0x82: {  	_ =	shalt  }
0x83: {  	_ =	shalt  }
0x84: {  	_ =	shalt  }
0x85: {  	_ =	shalt  }
0x86: {  	_ =	shalt  }
0x87: {  	_ =	shalt  }
.Lfunc_end0:
.L_simem_size_0:
called_computation.1_lowered:
.L_overlay_start_0:
0x88: {  	s2 =	sld [smem:$0x3FD9]  }
0x89: {  	s3 =	sld [smem:$0x3FFE];
	_ =	sdelay $0x1  }
0x8a: {  	s1 =	srdreg.scid  }
0x8b: {  	s0 =	sand.u32 $0x1, s1  }
0x8c: {  	s17 =	sshll.u32 s0, $0xA;
	s2 =	sadd.s32 s3, s2  }
0x8d: {  	s2 =	sadd.s32 s2, s17  }
0x8e: {  	[smem:$0x3FB4] =	sst s2  }
0x8f: {  	_ = 	snop  }
0x90: {  	s18 =	sld [smem:$0x3FC9]  }
0x91: {  	s4 =	sld [smem:$0x3FD0];
	(tm) =	ssettm $0x1  }
0x92: {  	s19 =	sld [smem:$0x3FFB];
	_ =	sdelay $0x3  }
0x93: {  	_ =	strace s19  }
0x94: {  	s2 =	sld [smem:$0x3FFC];
	_ =	sdelay $0x3  }
0x95: {  	_ =	strace s2  }
0x96: {  	s2 =	sld [smem:$0x3FFD];
	_ =	sdelay $0x3  }
0x97: {  	_ =	strace s2  }
0x98: {  	_ =	strace $0x8FFFFFFF  }
0x99: {  	s20 =	sld [smem:$0x3FDB];
	_ =	sdelay $0x1  }
0x9a: {  	s5 =	simm.s32 $_scs_section_size  }
0x9b: {  	s6 =	simm.s32 $_size__tile_overlayer_lowered;
	s7 =	simm.s32 $_tile_overlayer_lowered  }
0x9c: {  	s8 =	simm.s32 $0x1BFF;
	s21 =	sshll.u32 s7, $0x1;
	s5 =	sadd.s32 s5, s20  }
0x9d: {  	s22 =	simm.s32 $0x0;
	s6 =	sshll.u32 s6, $0x1;
	s7 =	sadd.s32 s21, s5  }
0x9e: {  	[timem:s22], [sflag:s8] =	dma.local [hbm:s7], s6  }
0x9f: {  	_ =	swait.ge [sflag:s8], s6  }
0xa0: {  	s6 =	ssub.s32 $0x0, s6;
	[sflag:s8] =	ssyncset.done $0x0  }
0xa1: {  	[sflag:s8] =	ssyncadd.s32 s6;
	_ =	sdelay $0x1  }
0xa2: {  	s23 =	simm.s32 $0x1B8B  }
0xa3: {  	_ =	swait.ge [sflag:s23], $0x1  }
0xa4: {  	[sflag:s23] =	ssyncset.done $0x0  }
0xa5: {  	[sflag:s23] =	ssyncadd.s32 $0xFFFFFFFF  }
0xa6: {  	s6 =	sld [smem:$0x0]  }
0xa7: {  	s7 =	sand.u32 $0xFFFFFFFE, s1  }
0xa8: {  	p0 =	sne.s32 s1, s7  }
0xa9: {  	s7 =	sshll.u32 @p0 s7, $0xE  }
0xaa: {  	s7 =	sadd.s32 @p0 $0x11B8D, s7;
	s8 =	sshll.u32 @p0 s6, $0x11  }
0xab: {  	s7 =	sor.u32 @p0 s8, s7  }
0xac: {  	[sflag:s7] =	ssyncadd.remote.s32 @p0 $0x1;
	_ =	sdelay $0x1  }
0xad: {  	s7 =	simm.s32 @p0 $0x1B8D  }
0xae: {  	_ =	swait.eq @p0 [sflag:s7], $0x1  }
0xaf: {  	[sflag:s7] =	ssyncadd.s32 @p0 $0xFFFFFFFF  }
0xb0: {  	s8 =	sshll.u32 @!p0 s1, $0xE  }
0xb1: {  	s8 =	sor.u32 @!p0 $0x4000, s8;
	s7 =	simm.s32 @!p0 $0x1B8D  }
0xb2: {  	s6 =	sshll.u32 @!p0 s6, $0x11;
	s8 =	sadd.s32 @!p0 $0x11B8D, s8;
	_ =	swait.eq @!p0 [sflag:s7], $0x1  }
0xb3: {  	s6 =	sor.u32 @!p0 s6, s8;
	[sflag:s7] =	ssyncadd.s32 @!p0 $0xFFFFFFFF  }
0xb4: {  	s25 =	simm.s32 $0x1B8E;
	s24 =	sld [smem:$0x3FFE];
	[sflag:s6] =	ssyncadd.remote.s32 @!p0 $0x1  }
0xb5: {  	s26 =	simm.s32 $execute0_lowered;
	[smem:$0x3FD2] =	sst s25  }
0xb6: {  	s7 =	sshll.u32 s26, $0x1;
	_ =	strace $0x80000049;
	[dreg:$0x1] =	wrdreg $0xFFFFFFFF  }
0xb7: {  	s28 =	simm.s32 $_size_execute0_lowered;
	s5 =	sadd.s32 s5, s7;
	[dreg:$0x0] =	wrdreg $0x0  }
0xb8: {  	s7 =	sshll.u32 s28, $0x1;
	[dreg:$0x2] =	wrdreg s5  }
0xb9: {  	[dreg:$0x3] =	wrdreg s7  }
0xba: {  	[dreg:$0x4] =	wrdreg $0xC0  }
0xbb: {  	_ =	task [dreg:s22], $0x5FFFF  }
0xbc: {  	[dreg:$0x1] =	wrdreg $0xFFFFFFFF  }
0xbd: {  	[dreg:$0x0] =	wrdreg $0x60  }
0xbe: {  	[dreg:$0x2] =	wrdreg s24  }
0xbf: {  	[dreg:$0x3] =	wrdreg s18  }
0xc0: {  	[dreg:$0x4] =	wrdreg s4  }
0xc1: {  	[dreg:$0x5] =	wrdreg $0xA  }
0xc2: {  	_ =	task.clear_ibuf [dreg:s22], $0x6FFFF;
	_ =	strace $0x90000049  }
0xc3: {  	s29 =	simm.s32 $0xA;
	_ =	strace $0x8000004B  }
0xc4: {  	_ =	swait.ge [sflag:s29], $0x1  }
0xc5: {  	[sflag:s29] =	ssyncadd.s32 $0xFFFFFFFF  }
0xc6: {  	_ =	strace $0x9000004B  }
0xc7: {  	_ =	sfence  }
0xc8: {  	s30 =	sld [smem:$0x0];
	_ =	sdelay $0x2  }
0xc9: {  	s31 =	sshll.u32 s1, $0xD;
	s1 =	sshrl.u32 s1, $0x2  }
0xca: {  	s4 =	sand.u32 $0x4000, s31;
	s1 =	sadd.s32 s1, s30  }
0xcb: {  	s0 =	sor.u32 s4, s0;
	s1 =	sshll.u32 s1, $0x11  }
0xcc: {  	s0 =	sor.u32 s1, s0  }
0xcd: {  	s0 =	sadd.s32 $0x8F2B, s0  }
0xce: {  	[sflag:s0] =	ssyncadd.remote.s32 $0x1  }
0xcf: {  	_ =	sfence.sel $0xFFFF  }
0xd0: {  	[dreg:$0x0] =	wrdreg $0xFFFFFFFF;
	(pc) =	sbr.abs _section_cstart, $3  }
0xd1: {  	[dreg:$0x1] =	wrdreg $0xFFFFFFFF  }
0xd2: {  	_ =	task.clear_ibuf [dreg:s22], $0x2FFFF;
	_ =	strace $0x9FFFFFFF  }
0xd3: {  	(tm) =	ssettm $0x7FFFFFFF  }
tec
execute0_lowered:
.L_overlay_start_1:
0x0: {  	(tag) =	ssettag $0x1  }
0x1: {  	s1 =	rddreg [dreg:$0x0]  }
0x2: {  	s2 =	srdreg.scid;
	s3 =	rddreg [dreg:$0x1]  }
0x3: {  	s0 =	stileid.u32;
	s5 =	rddreg [dreg:$0x2]  }
0x4: {  	s18 =	simm.s32 $0x880;
	s19 =	simm.s32 $0x1080;
	s20 =	simm.s32 $0x1880  }
0x5: {  	s21 =	simm.s32 $0x2080;
	s23 =	simm.s32 $0x2880;
	s24 =	simm.s32 $0x3080  }
0x6: {  	s25 =	simm.s32 $0x3880;
	s26 =	simm.s32 $0x4080;
	s9 =	simm.s32 $0x5080  }
0x7: {  	s10 =	simm.s32 $0x5880;
	s4 =	sand.u32 $0x1, s2;
	s2 =	simm.s32 $0x0  }
0x8: {  	s11 =	simm.s32 $0x6080;
	s12 =	simm.s32 $0x6880;
	[smem:$0x7FF] =	sst s2  }
0x9: {  	s13 =	simm.s32 $0x7080;
	_ =	strace $0x8000004A;
	[dreg:$0x6] =	wrdreg s18  }
0xa: {  	s14 =	simm.s32 $0x7880;
	s15 =	simm.s32 $0x480;
	[dreg:$0x7] =	wrdreg s19  }
0xb: {  	s16 =	simm.s32 $0xC80;
	s28 =	simm.s32 $0x6480;
	[dreg:$0x8] =	wrdreg s20  }
0xc: {  	s29 =	simm.s32 $0x6C80;
	s30 =	simm.s32 $0x7480;
	[dreg:$0x9] =	wrdreg s21  }
0xd: {  	s31 =	simm.s32 $0x7C80;
	s6 =	sshll.u32 s0, $0x8;
	[dreg:$0xa] =	wrdreg s23  }
0xe: {  	s7 =	sshll.u32 s4, $0x7;
	s4 =	ssub.s32 $0x2, s4;
	[dreg:$0xb] =	wrdreg s24  }
0xf: {  	s6 =	sor.u32 s7, s6;
	s22 =	sshrl.u32 s4, $0x1;
	[dreg:$0xc] =	wrdreg s25  }
0x10: {  	[dreg:$0xd] =	wrdreg s26;
	s18 =	simm.s32 $0x1C80;
	s19 =	simm.s32 $0x2480  }
0x11: {  	s20 =	simm.s32 $0x2C80;
	s21 =	simm.s32 $0x3480;
	s23 =	simm.s32 $0x4480  }
0x12: {  	s24 =	simm.s32 $0x4C80;
	s25 =	simm.s32 $0x5480;
	s7 =	sshrl.u32 s6, $0x3  }
0x13: {  	s26 =	simm.s32 $0x5C80;
	s6 =	sshll.u32 s6, $0x5;
	s3 =	sadd.s32 s3, s7  }
0x14: {  	s17 =	sadd.s32 s5, s6;
	s6 =	ssub.s32 s4, s22;
	s4 =	sadd.s32 $0x3880, s1  }
0x15: {  	v2 =	vlaneseq.u32;
	s7 =	simm.s32 $0x80;
	s22 =	simm.s32 $0x3C80;
	[dreg:$0x4] =	wrdreg s3  }
0x16: {  	vm0 =	vmmov $0xff;
	v1 =	vshrl.u32 v2, $0x3;
	[dreg:$0x5] =	wrdreg s17;
	s3 =	sadd.s32 $0x3800, s1;
	s5 =	smax.u32 s6, $0x1  }
0x17: {  	v0 =	vand.u32 $0x7, v2;
	v2 =	vor.u32 $0x8, v2;
	v1 =	vmul.u32 $0x8, v1;
	s6 =	simm.s32 $0x2;
	s17 =	simm.s32 $0x1480;
	s1 =	simm.s32 $0x1  }
.LBB2_1:
0x18: {  	s0 =	rddreg [dreg:$0x4]  }
0x19: {  	[tilespmem:s2], [sflag:$0x2] =	stream.linear.gather [hbm4b:s0+s2], $0x80, $0x38;
	[tilespmem:$0x8080] =	vst v63  }
0x1a: {  	_ =	swait.ge [sflag:s6], $0x80  }
0x1b: {  	[sflag:s6] =	ssyncset.done $0x0  }
0x1c: {  	[sflag:s6] =	ssyncadd.s32 $0xFFFFFF80  }
0x1d: {  	v3 =	vld [tilespmem:$0x0];
	_ =	sdelay $0x4  }
0x1e: {  	v4 =	vshrl.u32 v3, $0x3  }
0x1f: {  	v4 =	vmul.u32 $0x18, v4  }
0x20: {  	v3 =	vand.u32 $0x7, v3  }
0x21: {  	v3 =	vor.u32 v3, v4  }
0x22: {  	v4 =	vperm.xlane v3, v0;
	_ =	sdelay $0x1  }
0x23: {  	v3 =	vperm.xlane v3, v2;
	v4 =	vadd.s32 v1, v4;
	_ =	sdelay $0x1  }
0x24: {  	v3 =	vadd.s32 v1, v3;
	_ =	sdelay $0x2  }
0x25: {  	[tilespmem:s7], [sflag:$0x1] =	stream.indirect_vreg.gather [hbm4b:s3+s2], $0x80, v4, vm0, $0xb8;
	[tilespmem:$0x8080] =	vst v63  }
0x26: {  	s8 =	rddreg [dreg:$0x6]  }
0x27: {  	[tilespmem:s8], [sflag:$0x1] =	stream.indirect_vreg.gather [hbm4b:s3+s2], $0x80, v3, vm0, $0xb8;
	[tilespmem:$0x8080] =	vst v63  }
0x28: {  	v3 =	vld [tilespmem:$0x10];
	_ =	sdelay $0x4  }
0x29: {  	v49 =	vshrl.u32 v3, $0x3  }
0x2a: {  	v4 =	vmul.u32 $0x18, v49  }
0x2b: {  	v3 =	vand.u32 $0x7, v3  }
0x2c: {  	v3 =	vor.u32 v3, v4  }
0x2d: {  	v4 =	vperm.xlane v3, v0;
	_ =	sdelay $0x1  }
0x2e: {  	v3 =	vperm.xlane v3, v2;
	v4 =	vadd.s32 v1, v4;
	_ =	sdelay $0x1  }
0x2f: {  	v3 =	vadd.s32 v1, v3;
	_ =	sdelay $0x1  }
0x30: {  	s0 =	rddreg [dreg:$0x7]  }
0x31: {  	[tilespmem:s0], [sflag:$0x1] =	stream.indirect_vreg.gather [hbm4b:s3+s2], $0x80, v4, vm0, $0xb8;
	[tilespmem:$0x8080] =	vst v63  }
0x32: {  	s8 =	rddreg [dreg:$0x8]  }
0x33: {  	[tilespmem:s8], [sflag:$0x1] =	stream.indirect_vreg.gather [hbm4b:s3+s2], $0x80, v3, vm0, $0xb8;
	[tilespmem:$0x8080] =	vst v63  }
0x34: {  	v3 =	vld [tilespmem:$0x20];
	_ =	sdelay $0x4  }
0x35: {  	v50 =	vshrl.u32 v3, $0x3  }
0x36: {  	v4 =	vmul.u32 $0x18, v50  }
0x37: {  	v3 =	vand.u32 $0x7, v3  }
0x38: {  	v3 =	vor.u32 v3, v4  }
0x39: {  	v4 =	vperm.xlane v3, v0;
	_ =	sdelay $0x1  }
0x3a: {  	v3 =	vperm.xlane v3, v2;
	v4 =	vadd.s32 v1, v4;
	_ =	sdelay $0x1  }
0x3b: {  	v3 =	vadd.s32 v1, v3;
	_ =	sdelay $0x1  }
0x3c: {  	s0 =	rddreg [dreg:$0x9]  }
0x3d: {  	[tilespmem:s0], [sflag:$0x1] =	stream.indirect_vreg.gather [hbm4b:s3+s2], $0x80, v4, vm0, $0xb8;
	[tilespmem:$0x8080] =	vst v63  }
0x3e: {  	s8 =	rddreg [dreg:$0xa]  }
0x3f: {  	[tilespmem:s8], [sflag:$0x1] =	stream.indirect_vreg.gather [hbm4b:s3+s2], $0x80, v3, vm0, $0xb8;
	[tilespmem:$0x8080] =	vst v63  }
0x40: {  	v3 =	vld [tilespmem:$0x30];
	_ =	sdelay $0x4  }
0x41: {  	v51 =	vshrl.u32 v3, $0x3  }
0x42: {  	v4 =	vmul.u32 $0x18, v51  }
0x43: {  	v3 =	vand.u32 $0x7, v3  }
0x44: {  	v3 =	vor.u32 v3, v4  }
0x45: {  	v4 =	vperm.xlane v3, v0;
	_ =	sdelay $0x1  }
0x46: {  	v3 =	vperm.xlane v3, v2;
	v4 =	vadd.s32 v1, v4;
	_ =	sdelay $0x1  }
0x47: {  	v3 =	vadd.s32 v1, v3;
	_ =	sdelay $0x1  }
0x48: {  	s0 =	rddreg [dreg:$0xb]  }
0x49: {  	[tilespmem:s0], [sflag:$0x1] =	stream.indirect_vreg.gather [hbm4b:s3+s2], $0x80, v4, vm0, $0xb8;
	[tilespmem:$0x8080] =	vst v63  }
0x4a: {  	s8 =	rddreg [dreg:$0xc]  }
0x4b: {  	[tilespmem:s8], [sflag:$0x1] =	stream.indirect_vreg.gather [hbm4b:s3+s2], $0x80, v3, vm0, $0xb8;
	[tilespmem:$0x8080] =	vst v63  }
0x4c: {  	v3 =	vld [tilespmem:$0x40];
	_ =	sdelay $0x4  }
0x4d: {  	v52 =	vshrl.u32 v3, $0x3  }
0x4e: {  	v4 =	vmul.u32 $0x18, v52  }
0x4f: {  	v3 =	vand.u32 $0x7, v3  }
0x50: {  	v3 =	vor.u32 v3, v4  }
0x51: {  	v4 =	vperm.xlane v3, v0;
	_ =	sdelay $0x1  }
0x52: {  	v3 =	vperm.xlane v3, v2;
	v4 =	vadd.s32 v1, v4;
	_ =	sdelay $0x1  }
0x53: {  	v3 =	vadd.s32 v1, v3;
	_ =	sdelay $0x1  }
0x54: {  	s8 =	rddreg [dreg:$0xd]  }
0x55: {  	[tilespmem:s8], [sflag:$0x1] =	stream.indirect_vreg.gather [hbm4b:s3+s2], $0x80, v4, vm0, $0xb8;
	[tilespmem:$0x8080] =	vst v63  }
0x56: {  	s8 =	simm.s32 $0x4880  }
0x57: {  	[tilespmem:s8], [sflag:$0x1] =	stream.indirect_vreg.gather [hbm4b:s3+s2], $0x80, v3, vm0, $0xb8;
	[tilespmem:$0x8080] =	vst v63  }
0x58: {  	v3 =	vld [tilespmem:$0x50];
	_ =	sdelay $0x4  }
0x59: {  	v53 =	vshrl.u32 v3, $0x3  }
0x5a: {  	v4 =	vmul.u32 $0x18, v53  }
0x5b: {  	v3 =	vand.u32 $0x7, v3  }
0x5c: {  	v3 =	vor.u32 v3, v4  }
0x5d: {  	v4 =	vperm.xlane v3, v0;
	_ =	sdelay $0x1  }
0x5e: {  	v3 =	vperm.xlane v3, v2;
	v4 =	vadd.s32 v1, v4;
	_ =	sdelay $0x1  }
0x5f: {  	v3 =	vadd.s32 v1, v3;
	_ =	sdelay $0x2  }
0x60: {  	[tilespmem:s9], [sflag:$0x1] =	stream.indirect_vreg.gather [hbm4b:s3+s2], $0x80, v4, vm0, $0xb8;
	[tilespmem:$0x8080] =	vst v63  }
0x61: {  	_ = 	snop  }
0x62: {  	[tilespmem:s10], [sflag:$0x1] =	stream.indirect_vreg.gather [hbm4b:s3+s2], $0x80, v3, vm0, $0xb8;
	[tilespmem:$0x8080] =	vst v63  }
0x63: {  	v3 =	vld [tilespmem:$0x60];
	_ =	sdelay $0x4  }
0x64: {  	v54 =	vshrl.u32 v3, $0x3  }
0x65: {  	v4 =	vmul.u32 $0x18, v54  }
0x66: {  	v3 =	vand.u32 $0x7, v3  }
0x67: {  	v3 =	vor.u32 v3, v4  }
0x68: {  	v4 =	vperm.xlane v3, v0;
	_ =	sdelay $0x1  }
0x69: {  	v3 =	vperm.xlane v3, v2;
	v4 =	vadd.s32 v1, v4;
	_ =	sdelay $0x1  }
0x6a: {  	v3 =	vadd.s32 v1, v3;
	_ =	sdelay $0x2  }
0x6b: {  	[tilespmem:s11], [sflag:$0x1] =	stream.indirect_vreg.gather [hbm4b:s3+s2], $0x80, v4, vm0, $0xb8;
	[tilespmem:$0x8080] =	vst v63  }
0x6c: {  	_ = 	snop  }
0x6d: {  	[tilespmem:s12], [sflag:$0x1] =	stream.indirect_vreg.gather [hbm4b:s3+s2], $0x80, v3, vm0, $0xb8;
	[tilespmem:$0x8080] =	vst v63  }
0x6e: {  	v3 =	vld [tilespmem:$0x70];
	_ =	sdelay $0x4  }
0x6f: {  	v55 =	vshrl.u32 v3, $0x3  }
0x70: {  	v4 =	vmul.u32 $0x18, v55  }
0x71: {  	v3 =	vand.u32 $0x7, v3  }
0x72: {  	v3 =	vor.u32 v3, v4  }
0x73: {  	v4 =	vperm.xlane v3, v0;
	_ =	sdelay $0x1  }
0x74: {  	v3 =	vperm.xlane v3, v2;
	v4 =	vadd.s32 v1, v4;
	_ =	sdelay $0x1  }
0x75: {  	v3 =	vadd.s32 v1, v3;
	_ =	sdelay $0x2  }
0x76: {  	[tilespmem:s13], [sflag:$0x1] =	stream.indirect_vreg.gather [hbm4b:s3+s2], $0x80, v4, vm0, $0xb8;
	[tilespmem:$0x8080] =	vst v63  }
0x77: {  	_ = 	snop  }
0x78: {  	[tilespmem:s14], [sflag:$0x1] =	stream.indirect_vreg.gather [hbm4b:s3+s2], $0x80, v3, vm0, $0xb8;
	[tilespmem:$0x8080] =	vst v63  }
0x79: {  	v3 =	vld [tilespmem:$0x0];
	_ =	sdelay $0x4  }
0x7a: {  	v56 =	vshrl.u32 v3, $0x3  }
0x7b: {  	v4 =	vmul.u32 $0x18, v56  }
0x7c: {  	v3 =	vand.u32 $0x7, v3  }
0x7d: {  	v3 =	vor.u32 v3, v4  }
0x7e: {  	v4 =	vperm.xlane v3, v0;
	_ =	sdelay $0x1  }
0x7f: {  	v3 =	vperm.xlane v3, v2;
	v4 =	vadd.s32 v1, v4;
	_ =	sdelay $0x1  }
0x80: {  	v3 =	vadd.s32 v1, v3;
	_ =	sdelay $0x2  }
0x81: {  	[tilespmem:s15], [sflag:$0x1] =	stream.indirect_vreg.gather [hbm4b:s4+s2], $0x80, v4, vm0, $0xb8;
	[tilespmem:$0x8080] =	vst v63  }
0x82: {  	_ = 	snop  }
0x83: {  	[tilespmem:s16], [sflag:$0x1] =	stream.indirect_vreg.gather [hbm4b:s4+s2], $0x80, v3, vm0, $0xb8;
	[tilespmem:$0x8080] =	vst v63  }
0x84: {  	v3 =	vld [tilespmem:$0x10];
	_ =	sdelay $0x4  }
0x85: {  	v57 =	vshrl.u32 v3, $0x3  }
0x86: {  	v4 =	vmul.u32 $0x18, v57  }
0x87: {  	v3 =	vand.u32 $0x7, v3  }
0x88: {  	v3 =	vor.u32 v3, v4  }
0x89: {  	v4 =	vperm.xlane v3, v0;
	_ =	sdelay $0x1  }
0x8a: {  	v3 =	vperm.xlane v3, v2;
	v4 =	vadd.s32 v1, v4;
	_ =	sdelay $0x1  }
0x8b: {  	v3 =	vadd.s32 v1, v3;
	_ =	sdelay $0x2  }
0x8c: {  	[tilespmem:s17], [sflag:$0x1] =	stream.indirect_vreg.gather [hbm4b:s4+s2], $0x80, v4, vm0, $0xb8;
	[tilespmem:$0x8080] =	vst v63  }
0x8d: {  	_ = 	snop  }
0x8e: {  	[tilespmem:s18], [sflag:$0x1] =	stream.indirect_vreg.gather [hbm4b:s4+s2], $0x80, v3, vm0, $0xb8;
	[tilespmem:$0x8080] =	vst v63  }
0x8f: {  	v3 =	vld [tilespmem:$0x20];
	_ =	sdelay $0x4  }
0x90: {  	v58 =	vshrl.u32 v3, $0x3  }
0x91: {  	v4 =	vmul.u32 $0x18, v58  }
0x92: {  	v3 =	vand.u32 $0x7, v3  }
0x93: {  	v3 =	vor.u32 v3, v4  }
0x94: {  	v4 =	vperm.xlane v3, v0;
	_ =	sdelay $0x1  }
0x95: {  	v3 =	vperm.xlane v3, v2;
	v4 =	vadd.s32 v1, v4;
	_ =	sdelay $0x1  }
0x96: {  	v3 =	vadd.s32 v1, v3;
	_ =	sdelay $0x2  }
0x97: {  	[tilespmem:s19], [sflag:$0x1] =	stream.indirect_vreg.gather [hbm4b:s4+s2], $0x80, v4, vm0, $0xb8;
	[tilespmem:$0x8080] =	vst v63  }
0x98: {  	_ = 	snop  }
0x99: {  	[tilespmem:s20], [sflag:$0x1] =	stream.indirect_vreg.gather [hbm4b:s4+s2], $0x80, v3, vm0, $0xb8;
	[tilespmem:$0x8080] =	vst v63  }
0x9a: {  	v3 =	vld [tilespmem:$0x30];
	_ =	sdelay $0x4  }
0x9b: {  	v59 =	vshrl.u32 v3, $0x3  }
0x9c: {  	v4 =	vmul.u32 $0x18, v59  }
0x9d: {  	v3 =	vand.u32 $0x7, v3  }
0x9e: {  	v3 =	vor.u32 v3, v4  }
0x9f: {  	v4 =	vperm.xlane v3, v0;
	_ =	sdelay $0x1  }
0xa0: {  	v3 =	vperm.xlane v3, v2;
	v4 =	vadd.s32 v1, v4;
	_ =	sdelay $0x1  }
0xa1: {  	v3 =	vadd.s32 v1, v3;
	_ =	sdelay $0x2  }
0xa2: {  	[tilespmem:s21], [sflag:$0x1] =	stream.indirect_vreg.gather [hbm4b:s4+s2], $0x80, v4, vm0, $0xb8;
	[tilespmem:$0x8080] =	vst v63  }
0xa3: {  	_ = 	snop  }
0xa4: {  	[tilespmem:s22], [sflag:$0x1] =	stream.indirect_vreg.gather [hbm4b:s4+s2], $0x80, v3, vm0, $0xb8;
	[tilespmem:$0x8080] =	vst v63  }
0xa5: {  	v3 =	vld [tilespmem:$0x40];
	_ =	sdelay $0x4  }
0xa6: {  	v60 =	vshrl.u32 v3, $0x3  }
0xa7: {  	v4 =	vmul.u32 $0x18, v60  }
0xa8: {  	v3 =	vand.u32 $0x7, v3  }
0xa9: {  	v3 =	vor.u32 v3, v4  }
0xaa: {  	v4 =	vperm.xlane v3, v0;
	_ =	sdelay $0x1  }
0xab: {  	v3 =	vperm.xlane v3, v2;
	v4 =	vadd.s32 v1, v4;
	_ =	sdelay $0x1  }
0xac: {  	v3 =	vadd.s32 v1, v3;
	_ =	sdelay $0x2  }
0xad: {  	[tilespmem:s23], [sflag:$0x1] =	stream.indirect_vreg.gather [hbm4b:s4+s2], $0x80, v4, vm0, $0xb8;
	[tilespmem:$0x8080] =	vst v63  }
0xae: {  	_ = 	snop  }
0xaf: {  	[tilespmem:s24], [sflag:$0x1] =	stream.indirect_vreg.gather [hbm4b:s4+s2], $0x80, v3, vm0, $0xb8;
	[tilespmem:$0x8080] =	vst v63  }
0xb0: {  	v3 =	vld [tilespmem:$0x50];
	_ =	sdelay $0x4  }
0xb1: {  	v61 =	vshrl.u32 v3, $0x3  }
0xb2: {  	v4 =	vmul.u32 $0x18, v61  }
0xb3: {  	v3 =	vand.u32 $0x7, v3  }
0xb4: {  	v3 =	vor.u32 v3, v4  }
0xb5: {  	v4 =	vperm.xlane v3, v0;
	_ =	sdelay $0x1  }
0xb6: {  	v3 =	vperm.xlane v3, v2;
	v4 =	vadd.s32 v1, v4;
	_ =	sdelay $0x1  }
0xb7: {  	v3 =	vadd.s32 v1, v3;
	_ =	sdelay $0x2  }
0xb8: {  	[tilespmem:s25], [sflag:$0x1] =	stream.indirect_vreg.gather [hbm4b:s4+s2], $0x80, v4, vm0, $0xb8;
	[tilespmem:$0x8080] =	vst v63  }
0xb9: {  	_ = 	snop  }
0xba: {  	[tilespmem:s26], [sflag:$0x1] =	stream.indirect_vreg.gather [hbm4b:s4+s2], $0x80, v3, vm0, $0xb8;
	[tilespmem:$0x8080] =	vst v63  }
0xbb: {  	v3 =	vld [tilespmem:$0x60];
	_ =	sdelay $0x4  }
0xbc: {  	v62 =	vshrl.u32 v3, $0x3  }
0xbd: {  	v4 =	vmul.u32 $0x18, v62  }
0xbe: {  	v3 =	vand.u32 $0x7, v3  }
0xbf: {  	v3 =	vor.u32 v3, v4  }
0xc0: {  	v4 =	vperm.xlane v3, v0;
	_ =	sdelay $0x1  }
0xc1: {  	v3 =	vperm.xlane v3, v2;
	v4 =	vadd.s32 v1, v4;
	_ =	sdelay $0x1  }
0xc2: {  	v3 =	vadd.s32 v1, v3;
	_ =	sdelay $0x2  }
0xc3: {  	[tilespmem:s28], [sflag:$0x1] =	stream.indirect_vreg.gather [hbm4b:s4+s2], $0x80, v4, vm0, $0xb8;
	[tilespmem:$0x8080] =	vst v63  }
0xc4: {  	_ = 	snop  }
0xc5: {  	[tilespmem:s29], [sflag:$0x1] =	stream.indirect_vreg.gather [hbm4b:s4+s2], $0x80, v3, vm0, $0xb8;
	[tilespmem:$0x8080] =	vst v63  }
0xc6: {  	v3 =	vld [tilespmem:$0x70];
	_ =	sdelay $0x4  }
0xc7: {  	v63 =	vshrl.u32 v3, $0x3  }
0xc8: {  	v4 =	vmul.u32 $0x18, v63  }
0xc9: {  	v3 =	vand.u32 $0x7, v3  }
0xca: {  	v3 =	vor.u32 v3, v4  }
0xcb: {  	v4 =	vperm.xlane v3, v0;
	_ =	sdelay $0x1  }
0xcc: {  	v3 =	vperm.xlane v3, v2;
	v4 =	vadd.s32 v1, v4;
	_ =	sdelay $0x1  }
0xcd: {  	v3 =	vadd.s32 v1, v3;
	_ =	sdelay $0x2  }
0xce: {  	[tilespmem:s30], [sflag:$0x1] =	stream.indirect_vreg.gather [hbm4b:s4+s2], $0x80, v4, vm0, $0xb8;
	[tilespmem:$0x8080] =	vst v63  }
0xcf: {  	_ = 	snop  }
0xd0: {  	[tilespmem:s31], [sflag:$0x1] =	stream.indirect_vreg.gather [hbm4b:s4+s2], $0x80, v3, vm0, $0xb8;
	[tilespmem:$0x8080] =	vst v63  }
0xd1: {  	_ =	swait.ge [sflag:s1], $0x4000  }
0xd2: {  	[sflag:s1] =	ssyncset.done $0x0  }
0xd3: {  	[sflag:s1] =	ssyncadd.s32 $0xFFFFC000  }
0xd4: {  	_ =	swait.ge [sflag:s1], $0x4000  }
0xd5: {  	p0 =	sne.s32 s5, $0x1;
	[sflag:s1] =	ssyncset.done $0x0  }
.Ltmp0:
0xd6: {  	s8 =	rddreg [dreg:$0x5];
	[sflag:s1] =	ssyncadd.s32 $0xFFFFC000;
	(pc) =	sbr.rel @p0 .LBB2_1-.Ltmp0, $4  }
0xd7: {  	[hbm4b:s8+s2] =	stream.linear.scatter [tilespmem:s7], [sflag:$0x2], $0x8000, $0x38;
	[tilespmem:$0x8080] =	vst v63  }
0xd8: {  	_ =	swait.ge [sflag:s6], $0x8000  }
0xd9: {  	[sflag:s6] =	ssyncset.done $0x0  }
0xda: {  	s5 =	sadd.s32 $0xFFFFFFFF, s5;
	[sflag:s6] =	ssyncadd.s32 $0xFFFF8000  }
0xdb: {  	_ =	sfence.sel $0x180000  }
0xdc: {  	[bflag:$0x0] =	sbarrier.arrive $0xFFFF  }
0xdd: {  	_ =	strace $0x9000004A  }
0xde: {  	s0 =	stileid.u32;
	[bflag:$0x2] =	sbarrier.arrive $0xFFFF  }
0xdf: {  	p0 =	sne.s32 s0, $0x0;
	s0 =	rddreg [dreg:$0x3]  }
0xe0: {  	s0 =	sadd.s32 @!p0 $0x100000, s0  }
0xe1: {  	[sflag:s0] =	ssyncadd.tile.s32 @!p0 $0x1;
	_ =	shalt  }
.Lfunc_end2:
_tile_overlayer_lowered:
.L_overlay_start_2:
0xe2: {  	(tag) =	ssettag $0x2  }
0xe3: {  	s0 =	rddreg [dreg:$0x0];
	s2 =	stileid.u32  }
0xe4: {  	s1 =	rddreg [dreg:$0x1];
	p0 =	sne.s32 s2, $0x0  }
0xe5: {  	s3 =	rddreg [dreg:$0x2];
	[bflag:$0x3] =	sbarrier.arrive $0xFFFF;
	s2 =	simm.s32 @!p0 $0x1C02  }
0xe6: {  	[timem:s3], [sflag:s2] =	dma.local @!p0 [hbm:s0], s1  }
0xe7: {  	s0 =	simm.s32 @!p0 $0x2  }
0xe8: {  	_ =	swait.ge @!p0 [sflag:s0], s1  }
0xe9: {  	s1 =	ssub.s32 @!p0 $0x0, s1;
	[sflag:s0] =	ssyncset.done @!p0 $0x0  }
0xea: {  	[sflag:s0] =	ssyncadd.s32 @!p0 s1  }
0xeb: {  	[bflag:$0x3] =	sbarrier.arrive $0xFFFF  }
0xec: {  	_ =	shalt  }

// kernel: kernel.8.cloned.1.call-start
scs
__scs_entry_jumppad:
0x0: {  	(pc) =	sbr.rel $0x88, $3  }
0x1: {  	(tag) =	ssettag $0x0;
	lr =	simm.s32 $0x1  }
0x2: {  	[smem:$0x3F8D] =	sst lr;
	_ =	strace $0xD0000000  }
0x3: {  	_ = 	snop  }
0x4: {  	_ = 	snop  }
0x5: {  	_ = 	snop  }
0x6: {  	_ = 	snop  }
0x7: {  	_ = 	snop  }
__scs_overlays_trampoline_lowered:
0x8: {  	[smem:$0x3F9C] =	sst s0  }
0x9: {  	[smem:$0x3F9D] =	sst s1  }
0xa: {  	[smem:$0x3F9E] =	sst s2  }
0xb: {  	[smem:$0x3F9F] =	sst s3  }
0xc: {  	[smem:$0x3FA0] =	sst s4  }
0xd: {  	[smem:$0x3FA1] =	sst s5  }
0xe: {  	[smem:$0x3FA2] =	sst s6  }
0xf: {  	[smem:$0x3FA3] =	sst s7  }
0x10: {  	[smem:$0x3FA4] =	sst s8  }
0x11: {  	[smem:$0x3FA5] =	sst s9;
	s0 =	simm.s32 @!p0 $0x0  }
0x12: {  	s1 =	sld [smem:$0x3F8B];
	s0 =	simm.s32 @p0 $0x1  }
0x13: {  	[smem:$0x3FA6] =	sst s0;
	s0 =	simm.s32 @!p1 $0x0  }
0x14: {  	s2 =	sld [smem:$0x3F8A];
	s0 =	simm.s32 @p1 $0x1  }
0x15: {  	[smem:$0x3FA7] =	sst s0;
	s0 =	simm.s32 @!p2 $0x0  }
0x16: {  	s3 =	sld [smem:$0x3FDB];
	s0 =	simm.s32 @p2 $0x1  }
0x17: {  	s4 =	simm.s32 $0x1BF5;
	[smem:$0x3FA9] =	sst s0  }
0x18: {  	s0 =	sld [smem:$0x3F8C];
	_ =	swait.ge [sflag:s4], $0x0  }
0x19: {  	s7 =	sld [smem:$0x3F8D]  }
0x1a: {  	s8 =	sadd.s32 $0xFFFFE003, lr  }
0x1b: {  	s9 =	sadd.s32 $0xFFFFFEF7, lr;
	s5 =	simm.s32 $0xFFFFFFFF;
	p2 =	slt.u32 s8, $0xFFFFF086  }
0x1c: {  	p1 =	slt.u32 s9, $0xF7A;
	s5 =	simm.s32 @!p2 $0x0  }
0x1d: {  	s5 =	simm.s32 @p1 $0x1;
	p0 =	seq.s32 s7, s2  }
0x1e: {  	s7 =	smul.u32 @!p0 $0xF7A, s2;
	p2 =	seq.s32 @!p0 s5, $0x0  }
0x1f: {  	s9 =	smul.u32 $0xF7A, s1;
	s8 =	simm.s32 @!p0 $0x1BF5;
	p2 =	por !p2, p0  }
0x20: {  	[sflag:s8] =	ssyncset.s32 @!p0 $0xFFFFF086;
	s6 =	sadd.s32 @!p0 s3, s7;
	s7 =	simm.s32 @!p0 $0x108  }
0x21: {  	s3 =	sadd.s32 s3, s9;
	s6 =	sadd.s32 @!p0 $0x88, s6;
	s7 =	simm.s32 @p2 $0x1082  }
0x22: {  	[simem:s7], [sflag:s8] =	dma.local @!p0 [hbm:s6], $0xF7A  }
0x23: {  	s9 =	sor.u32 $0xD0000000, s2;
	s6 =	simm.s32 $0x108;
	_ =	swait.ge @!p0 [sflag:s8], $0x0  }
0x24: {  	s3 =	sadd.s32 $0x88, s3;
	s6 =	simm.s32 @!p1 $0x1082;
	[sflag:s4] =	ssyncset.s32 $0xFFFFF086  }
0x25: {  	[simem:s6], [sflag:s4] =	dma.local [hbm:s3], $0xF7A  }
0x26: {  	[smem:$0x3F8D] =	sst s1;
	(tag) =	ssettag s2;
	_ =	strace s9  }
0x27: {  	s1 =	sld [smem:$0x3F9D]  }
0x28: {  	s2 =	sld [smem:$0x3F9E]  }
0x29: {  	s4 =	sld [smem:$0x3FA0]  }
0x2a: {  	p0 =	seq.s32 s5, $0x0;
	s5 =	sld [smem:$0x3FA1]  }
0x2b: {  	s6 =	sld [smem:$0x3FA2]  }
0x2c: {  	s7 =	sld [smem:$0x3FA3]  }
0x2d: {  	s3 =	simm.s32 $0x108;
	s8 =	sld [smem:$0x3FA4]  }
0x2e: {  	s3 =	simm.s32 @!p0 $0x1082;
	s9 =	sld [smem:$0x3FA5]  }
0x2f: {  	lr =	sadd.s32 s0, s3;
	s0 =	sld [smem:$0x3F9C]  }
0x30: {  	s3 =	sld [smem:$0x3F9F]  }
0x31: {  	[smem:$0x3FA8] =	sst s10  }
0x32: {  	s10 =	sld [smem:$0x3FA6];
	_ =	sdelay $0x3  }
0x33: {  	p0 =	seq.s32 s10, $0x1;
	s10 =	sld [smem:$0x3FA8];
	_ =	sdelay $0x3  }
0x34: {  	[smem:$0x3FA8] =	sst s10  }
0x35: {  	s10 =	sld [smem:$0x3FA7];
	_ =	sdelay $0x3  }
0x36: {  	p1 =	seq.s32 s10, $0x1;
	s10 =	sld [smem:$0x3FA8];
	_ =	sdelay $0x3  }
0x37: {  	[smem:$0x3FA8] =	sst s10  }
0x38: {  	s10 =	sld [smem:$0x3FA9]  }
0x39: {  	_ = 	snop;
	(pc) =	sbr.ind lr, $3  }
0x3a: {  	_ = 	snop  }
0x3b: {  	_ = 	snop  }
0x3c: {  	p2 =	seq.s32 s10, $0x1;
	s10 =	sld [smem:$0x3FA8]  }
0x3d: {  	_ =	shalt  }
0x3e: {  	_ =	shalt  }
0x3f: {  	_ =	shalt  }
0x40: {  	_ =	shalt  }
0x41: {  	_ =	shalt  }
0x42: {  	_ =	shalt  }
0x43: {  	_ =	shalt  }
0x44: {  	_ =	shalt  }
0x45: {  	_ =	shalt  }
0x46: {  	_ =	shalt  }
0x47: {  	_ =	shalt  }
0x48: {  	_ =	shalt  }
0x49: {  	_ =	shalt  }
0x4a: {  	_ =	shalt  }
0x4b: {  	_ =	shalt  }
0x4c: {  	_ =	shalt  }
0x4d: {  	_ =	shalt  }
0x4e: {  	_ =	shalt  }
0x4f: {  	_ =	shalt  }
0x50: {  	_ =	shalt  }
0x51: {  	_ =	shalt  }
0x52: {  	_ =	shalt  }
0x53: {  	_ =	shalt  }
0x54: {  	_ =	shalt  }
0x55: {  	_ =	shalt  }
0x56: {  	_ =	shalt  }
0x57: {  	_ =	shalt  }
0x58: {  	_ =	shalt  }
0x59: {  	_ =	shalt  }
0x5a: {  	_ =	shalt  }
0x5b: {  	_ =	shalt  }
0x5c: {  	_ =	shalt  }
0x5d: {  	_ =	shalt  }
0x5e: {  	_ =	shalt  }
0x5f: {  	_ =	shalt  }
0x60: {  	_ =	shalt  }
0x61: {  	_ =	shalt  }
0x62: {  	_ =	shalt  }
0x63: {  	_ =	shalt  }
0x64: {  	_ =	shalt  }
0x65: {  	_ =	shalt  }
0x66: {  	_ =	shalt  }
0x67: {  	_ =	shalt  }
0x68: {  	_ =	shalt  }
0x69: {  	_ =	shalt  }
0x6a: {  	_ =	shalt  }
0x6b: {  	_ =	shalt  }
0x6c: {  	_ =	shalt  }
0x6d: {  	_ =	shalt  }
0x6e: {  	_ =	shalt  }
0x6f: {  	_ =	shalt  }
0x70: {  	_ =	shalt  }
0x71: {  	_ =	shalt  }
0x72: {  	_ =	shalt  }
0x73: {  	_ =	shalt  }
0x74: {  	_ =	shalt  }
0x75: {  	_ =	shalt  }
0x76: {  	_ =	shalt  }
0x77: {  	_ =	shalt  }
0x78: {  	_ =	shalt  }
0x79: {  	_ =	shalt  }
0x7a: {  	_ =	shalt  }
0x7b: {  	_ =	shalt  }
0x7c: {  	_ =	shalt  }
0x7d: {  	_ =	shalt  }
0x7e: {  	_ =	shalt  }
0x7f: {  	_ =	shalt  }
0x80: {  	_ =	shalt  }
0x81: {  	_ =	shalt  }
0x82: {  	_ =	shalt  }
0x83: {  	_ =	shalt  }
0x84: {  	_ =	shalt  }
0x85: {  	_ =	shalt  }
0x86: {  	_ =	shalt  }
0x87: {  	_ =	shalt  }
.Lfunc_end0:
.L_simem_size_0:
called_computation.2_lowered:
.L_overlay_start_0:
0x88: {  	s2 =	sld [smem:$0x3FD9]  }
0x89: {  	s3 =	sld [smem:$0x3FFE];
	_ =	sdelay $0x1  }
0x8a: {  	s1 =	srdreg.scid  }
0x8b: {  	s0 =	sand.u32 $0x1, s1  }
0x8c: {  	s17 =	sshll.u32 s0, $0xA;
	s2 =	sadd.s32 s3, s2  }
0x8d: {  	s2 =	sadd.s32 s2, s17  }
0x8e: {  	[smem:$0x3FB4] =	sst s2  }
0x8f: {  	_ = 	snop  }
0x90: {  	s2 =	sld [smem:$0x3FC3]  }
0x91: {  	s18 =	sld [smem:$0x3FD0];
	(tm) =	ssettm $0x1  }
0x92: {  	s4 =	sld [smem:$0x3FFB];
	_ =	sdelay $0x3  }
0x93: {  	_ =	strace s4  }
0x94: {  	s4 =	sld [smem:$0x3FFC];
	_ =	sdelay $0x3  }
0x95: {  	_ =	strace s4  }
0x96: {  	s4 =	sld [smem:$0x3FFD];
	_ =	sdelay $0x3  }
0x97: {  	_ =	strace s4  }
0x98: {  	_ =	strace $0x8FFFFFFF  }
0x99: {  	s19 =	sld [smem:$0x3FDB];
	_ =	sdelay $0x1  }
0x9a: {  	s5 =	simm.s32 $_scs_section_size  }
0x9b: {  	s6 =	simm.s32 $_size__tile_overlayer_lowered;
	s7 =	simm.s32 $_tile_overlayer_lowered  }
0x9c: {  	s22 =	simm.s32 $0x1BFF;
	s21 =	sshll.u32 s7, $0x1;
	s4 =	sadd.s32 s5, s19  }
0x9d: {  	s8 =	simm.s32 $0x0;
	s20 =	sshll.u32 s6, $0x1;
	s6 =	sadd.s32 s21, s4  }
0x9e: {  	[timem:s8], [sflag:s22] =	dma.local [hbm:s6], s20  }
0x9f: {  	_ =	swait.ge [sflag:s22], s20  }
0xa0: {  	s5 =	ssub.s32 $0x0, s20;
	[sflag:s22] =	ssyncset.done $0x0  }
0xa1: {  	[sflag:s22] =	ssyncadd.s32 s5;
	_ =	sdelay $0x1  }
0xa2: {  	s23 =	simm.s32 $0x1B8B  }
0xa3: {  	_ =	swait.ge [sflag:s23], $0x1  }
0xa4: {  	[sflag:s23] =	ssyncset.done $0x0  }
0xa5: {  	s25 =	simm.s32 $0x1B8E;
	s24 =	sld [smem:$0x3FFE];
	[sflag:s23] =	ssyncadd.s32 $0xFFFFFFFF  }
0xa6: {  	s26 =	simm.s32 $execute0_lowered;
	[smem:$0x3FD2] =	sst s25  }
0xa7: {  	s6 =	sshll.u32 s26, $0x1;
	_ =	strace $0x8000004C;
	[dreg:$0x1] =	wrdreg $0xFFFFFFFF  }
0xa8: {  	s28 =	simm.s32 $_size_execute0_lowered;
	s4 =	sadd.s32 s4, s6;
	[dreg:$0x0] =	wrdreg $0x0  }
0xa9: {  	s6 =	sshll.u32 s28, $0x1;
	[dreg:$0x2] =	wrdreg s4  }
0xaa: {  	[dreg:$0x3] =	wrdreg s6  }
0xab: {  	[dreg:$0x4] =	wrdreg $0xC0  }
0xac: {  	_ =	task [dreg:s8], $0x5FFFF  }
0xad: {  	[dreg:$0x1] =	wrdreg $0xFFFFFFFF  }
0xae: {  	[dreg:$0x0] =	wrdreg $0x60  }
0xaf: {  	[dreg:$0x2] =	wrdreg s18  }
0xb0: {  	[dreg:$0x3] =	wrdreg s24  }
0xb1: {  	[dreg:$0x4] =	wrdreg s2  }
0xb2: {  	[dreg:$0x5] =	wrdreg $0x9  }
0xb3: {  	_ =	task.clear_ibuf [dreg:s8], $0x6FFFF;
	_ =	strace $0x9000004C  }
0xb4: {  	s29 =	simm.s32 $0x9;
	_ =	strace $0x8000004E  }
0xb5: {  	_ =	swait.ge [sflag:s29], $0x1  }
0xb6: {  	[sflag:s29] =	ssyncadd.s32 $0xFFFFFFFF  }
0xb7: {  	_ =	strace $0x9000004E  }
0xb8: {  	_ =	sfence  }
0xb9: {  	s30 =	sld [smem:$0x0];
	_ =	sdelay $0x2  }
0xba: {  	s31 =	sshll.u32 s1, $0xD;
	s1 =	sshrl.u32 s1, $0x2  }
0xbb: {  	s3 =	sand.u32 $0x4000, s31;
	s1 =	sadd.s32 s1, s30  }
0xbc: {  	s0 =	sor.u32 s3, s0;
	s1 =	sshll.u32 s1, $0x11  }
0xbd: {  	s0 =	sor.u32 s1, s0  }
0xbe: {  	s0 =	sadd.s32 $0x8F2B, s0  }
0xbf: {  	[sflag:s0] =	ssyncadd.remote.s32 $0x1  }
0xc0: {  	_ =	sfence.sel $0xFFFF  }
0xc1: {  	[dreg:$0x0] =	wrdreg $0xFFFFFFFF;
	(pc) =	sbr.abs _section_cstart, $3  }
0xc2: {  	[dreg:$0x1] =	wrdreg $0xFFFFFFFF  }
0xc3: {  	_ =	task.clear_ibuf [dreg:s8], $0x2FFFF;
	_ =	strace $0x9FFFFFFF  }
0xc4: {  	(tm) =	ssettm $0x7FFFFFFF  }
0xc5: {  	_ =	shalt  }
tec
execute0_lowered:
.L_overlay_start_1:
0x0: {  	(tag) =	ssettag $0x1  }
0x1: {  	s1 =	rddreg [dreg:$0x0];
	s0 =	srdreg.scid  }
0x2: {  	s3 =	stileid.u32;
	s2 =	rddreg [dreg:$0x1]  }
0x3: {  	s5 =	rddreg [dreg:$0x2];
	s10 =	simm.s32 $0xA80;
	s11 =	simm.s32 $0x80  }
0x4: {  	s12 =	simm.s32 $0x1480;
	s14 =	simm.s32 $0x1080;
	s15 =	simm.s32 $0x7480  }
0x5: {  	s16 =	simm.s32 $0x1100;
	s17 =	simm.s32 $0x7C80;
	s18 =	simm.s32 $0x1180  }
0x6: {  	s19 =	simm.s32 $0x8480;
	s20 =	simm.s32 $0x1200;
	s21 =	simm.s32 $0x8C80  }
0x7: {  	s22 =	simm.s32 $0x1280;
	s23 =	simm.s32 $0x9480;
	s24 =	simm.s32 $0x1300  }
0x8: {  	s25 =	simm.s32 $0x9C80;
	s26 =	simm.s32 $0x1380;
	s28 =	simm.s32 $0xA480  }
0x9: {  	s29 =	simm.s32 $0x1400;
	s0 =	sand.u32 $0x1, s0;
	s3 =	sshll.u32 s3, $0x1  }
0xa: {  	s30 =	simm.s32 $0xAC80;
	s31 =	simm.s32 $0x1;
	s6 =	sor.u32 s0, s3  }
0xb: {  	s3 =	simm.s32 $0x0;
	s0 =	ssub.s32 $0x2, s0;
	s4 =	smul.u32 $0x140, s6  }
0xc: {  	[smem:$0x7FF] =	sst s3;
	s7 =	smul.u32 $0x1400, s6;
	s8 =	sshrl.u32 s0, $0x1  }
0xd: {  	s9 =	sshll.u32 s6, $0x7;
	s6 =	sshll.u32 s6, $0x4;
	_ =	strace $0x8000004D  }
0xe: {  	s0 =	ssub.s32 s0, s8;
	s5 =	sadd.s32 s5, s6;
	s8 =	simm.s32 $0x2  }
0xf: {  	v1 =	vlaneseq.u32;
	s4 =	sadd.s32 s4, s2;
	s2 =	sadd.s32 s7, s2;
	s7 =	smax.u32 s0, $0x1  }
0x10: {  	v0 =	vor.u32 s9, v1;
	v1 =	vmul.u32 $0x14, v1;
	s4 =	sadd.s32 $0x4C7A00, s4;
	s6 =	sadd.s32 $0x3800, s2;
	s2 =	simm.s32 $0x0  }
.LBB2_1:
0x11: {  	[tilespmem:s3], [sflag:$0x2] =	stream.linear.gather [hbm4b:s4+s3], $0xA00, $0x38;
	[tilespmem:$0xB480] =	vst v63  }
0x12: {  	_ =	swait.ge [sflag:s8], $0xA00  }
0x13: {  	[sflag:s8] =	ssyncset.done $0x0  }
0x14: {  	s0 =	simm.s32 $0xA00;
	[sflag:s8] =	ssyncadd.s32 $0xFFFFF600  }
0x15: {  	[tilespmem:s0], [sflag:$0x2] =	stream.linear.gather [hbm4b:s5+s3], $0x80, $0x38;
	[tilespmem:$0xB480] =	vst v63  }
0x16: {  	_ =	swait.ge [sflag:s8], $0x80  }
0x17: {  	[sflag:s8] =	ssyncset.done $0x0  }
0x18: {  	s0 =	simm.s32 $0x0;
	[sflag:s8] =	ssyncadd.s32 $0xFFFFFF80  }
0x19: {  	s9 =	simm.s32 $0x40;
	v2 =	vld [tilespmem:s0+$0x0]  }
.LBB2_2:
0x1a: {  	p0 =	sne.s32 s9, $0x27C0  }
.Ltmp0:
0x1b: {  	_ = 	snop;
	(pc) =	sbr.rel @p0 .LBB2_2-.Ltmp0, $3  }
0x1c: {  	_ =	sdelay $0x1  }
0x1d: {  	s13 =	sshra.s32 s9, $0x2;
	s9 =	sadd.s32 $0x40, s9;
	v3 =	vadd.s32 $0x1000, v2  }
0x1e: {  	v2 =	vld [tilespmem:s13+$0x0];
	[tilespmem:s0+$0xA80] =	vst v3;
	s0 =	smov.u32 s13  }
0x1f: {  	_ =	sdelay $0x3  }
0x20: {  	v2 =	vadd.s32 $0x1000, v2  }
0x21: {  	s9 =	simm.s32 $0xA00;
	[tilespmem:s0+$0xA80] =	vst v2  }
0x22: {  	s13 =	simm.s32 $0x10;
	s0 =	simm.s32 $0x0;
	v2 =	vld [tilespmem:s9+$0x0]  }
.LBB2_4:
0x23: {  	p0 =	sne.s32 s13, $0x70;
	_ =	sdelay $0x3  }
0x24: {  	v3 =	vmov s0;
	v4 =	vadd.s32 $0xFFFFFFFF, v2  }
0x25: {  	v3 =	vmul.u32 $0x14, v3;
	vm0 =	vgt.s32 v4, $0x0  }
0x26: {  	v4 =	vnsel vm0, $0x0, v4  }
0x27: {  	vm0 =	vgt.s32 v2, $0x0;
	v3 =	vadd.s32 v4, v3  }
0x28: {  	v2 =	vadd.s32 v1, v3;
	_ =	sdelay $0x1  }
.Ltmp1:
0x29: {  	(pc) =	sbr.rel @p0 .LBB2_4-.Ltmp1, $4  }
0x2a: {  	_ = 	snop  }
0x2b: {  	v3 =	vor.u32 s0, v0;
	s0 =	smov.u32 s13  }
0x2c: {  	s9 =	sadd.s32 $0x10, s9;
	[tilespmem:v2+s10+$0x0] =	vst.idx.msk vm0, v3  }
0x2d: {  	s13 =	sadd.s32 $0x10, s13;
	v2 =	vld [tilespmem:s9+$0x0]  }
0x2e: {  	_ =	sdelay $0x3  }
0x2f: {  	v3 =	vmov s0;
	v4 =	vadd.s32 $0xFFFFFFFF, v2  }
0x30: {  	v3 =	vmul.u32 $0x14, v3;
	vm0 =	vgt.s32 v4, $0x0  }
0x31: {  	v4 =	vnsel vm0, $0x0, v4  }
0x32: {  	vm15 =	vgt.s32 v2, $0x0;
	v3 =	vadd.s32 v4, v3  }
0x33: {  	v2 =	vadd.s32 v1, v3;
	_ =	sdelay $0x3  }
0x34: {  	v3 =	vor.u32 s0, v0  }
0x35: {  	[tilespmem:v2+s10+$0x0] =	vst.idx.msk vm15, v3  }
0x36: {  	[tilespmem:s12], [sflag:$0x1] =	stream.indirect.gather [hbm4b:s1+s11], $0x10, s10, s11, $0xb8;
	[tilespmem:$0xB480] =	vst v63  }
0x37: {  	s13 =	simm.s32 $0xB00;
	s9 =	simm.s32 $0x1C80  }
0x38: {  	[tilespmem:s9], [sflag:$0x1] =	stream.indirect.gather [hbm4b:s1+s11], $0x10, s13, s11, $0xb8;
	[tilespmem:$0xB480] =	vst v63  }
0x39: {  	s9 =	simm.s32 $0xB80;
	s13 =	simm.s32 $0x2480  }
0x3a: {  	[tilespmem:s13], [sflag:$0x1] =	stream.indirect.gather [hbm4b:s1+s11], $0x10, s9, s11, $0xb8;
	[tilespmem:$0xB480] =	vst v63  }
0x3b: {  	s9 =	simm.s32 $0xC00;
	s13 =	simm.s32 $0x2C80  }
0x3c: {  	[tilespmem:s13], [sflag:$0x1] =	stream.indirect.gather [hbm4b:s1+s11], $0x10, s9, s11, $0xb8;
	[tilespmem:$0xB480] =	vst v63  }
0x3d: {  	s9 =	simm.s32 $0xC80;
	s13 =	simm.s32 $0x3480  }
0x3e: {  	[tilespmem:s13], [sflag:$0x1] =	stream.indirect.gather [hbm4b:s1+s11], $0x10, s9, s11, $0xb8;
	[tilespmem:$0xB480] =	vst v63  }
0x3f: {  	s9 =	simm.s32 $0xD00;
	s13 =	simm.s32 $0x3C80  }
0x40: {  	[tilespmem:s13], [sflag:$0x1] =	stream.indirect.gather [hbm4b:s1+s11], $0x10, s9, s11, $0xb8;
	[tilespmem:$0xB480] =	vst v63  }
0x41: {  	s9 =	simm.s32 $0xD80;
	s13 =	simm.s32 $0x4480  }
0x42: {  	[tilespmem:s13], [sflag:$0x1] =	stream.indirect.gather [hbm4b:s1+s11], $0x10, s9, s11, $0xb8;
	[tilespmem:$0xB480] =	vst v63  }
0x43: {  	s9 =	simm.s32 $0xE00;
	s13 =	simm.s32 $0x4C80  }
0x44: {  	[tilespmem:s13], [sflag:$0x1] =	stream.indirect.gather [hbm4b:s1+s11], $0x10, s9, s11, $0xb8;
	[tilespmem:$0xB480] =	vst v63  }
0x45: {  	s9 =	simm.s32 $0xE80;
	s13 =	simm.s32 $0x5480  }
0x46: {  	[tilespmem:s13], [sflag:$0x1] =	stream.indirect.gather [hbm4b:s1+s11], $0x10, s9, s11, $0xb8;
	[tilespmem:$0xB480] =	vst v63  }
0x47: {  	s9 =	simm.s32 $0xF00;
	s13 =	simm.s32 $0x5C80  }
0x48: {  	[tilespmem:s13], [sflag:$0x1] =	stream.indirect.gather [hbm4b:s1+s11], $0x10, s9, s11, $0xb8;
	[tilespmem:$0xB480] =	vst v63  }
0x49: {  	s9 =	simm.s32 $0xF80;
	s13 =	simm.s32 $0x6480  }
0x4a: {  	[tilespmem:s13], [sflag:$0x1] =	stream.indirect.gather [hbm4b:s1+s11], $0x10, s9, s11, $0xb8;
	[tilespmem:$0xB480] =	vst v63  }
0x4b: {  	s9 =	simm.s32 $0x1000;
	s13 =	simm.s32 $0x6C80  }
0x4c: {  	[tilespmem:s13], [sflag:$0x1] =	stream.indirect.gather [hbm4b:s1+s11], $0x10, s9, s11, $0xb8;
	[tilespmem:$0xB480] =	vst v63  }
0x4d: {  	_ = 	snop  }
0x4e: {  	[tilespmem:s15], [sflag:$0x1] =	stream.indirect.gather [hbm4b:s1+s11], $0x10, s14, s11, $0xb8;
	[tilespmem:$0xB480] =	vst v63  }
0x4f: {  	_ = 	snop  }
0x50: {  	[tilespmem:s17], [sflag:$0x1] =	stream.indirect.gather [hbm4b:s1+s11], $0x10, s16, s11, $0xb8;
	[tilespmem:$0xB480] =	vst v63  }
0x51: {  	_ = 	snop  }
0x52: {  	[tilespmem:s19], [sflag:$0x1] =	stream.indirect.gather [hbm4b:s1+s11], $0x10, s18, s11, $0xb8;
	[tilespmem:$0xB480] =	vst v63  }
0x53: {  	_ = 	snop  }
0x54: {  	[tilespmem:s21], [sflag:$0x1] =	stream.indirect.gather [hbm4b:s1+s11], $0x10, s20, s11, $0xb8;
	[tilespmem:$0xB480] =	vst v63  }
0x55: {  	_ = 	snop  }
0x56: {  	[tilespmem:s23], [sflag:$0x1] =	stream.indirect.gather [hbm4b:s1+s11], $0x10, s22, s11, $0xb8;
	[tilespmem:$0xB480] =	vst v63  }
0x57: {  	_ = 	snop  }
0x58: {  	[tilespmem:s25], [sflag:$0x1] =	stream.indirect.gather [hbm4b:s1+s11], $0x10, s24, s11, $0xb8;
	[tilespmem:$0xB480] =	vst v63  }
0x59: {  	_ = 	snop  }
0x5a: {  	[tilespmem:s28], [sflag:$0x1] =	stream.indirect.gather [hbm4b:s1+s11], $0x10, s26, s11, $0xb8;
	[tilespmem:$0xB480] =	vst v63  }
0x5b: {  	_ = 	snop  }
0x5c: {  	[tilespmem:s30], [sflag:$0x1] =	stream.indirect.gather [hbm4b:s1+s11], $0x10, s29, s11, $0xb8;
	[tilespmem:$0xB480] =	vst v63  }
0x5d: {  	_ =	swait.ge [sflag:s31], $0x800  }
0x5e: {  	[sflag:s31] =	ssyncset.done $0x0  }
0x5f: {  	[sflag:s31] =	ssyncadd.s32 $0xFFFFF800  }
0x60: {  	_ =	swait.ge [sflag:s31], $0x800  }
0x61: {  	[sflag:s31] =	ssyncset.done $0x0  }
0x62: {  	[sflag:s31] =	ssyncadd.s32 $0xFFFFF800  }
0x63: {  	_ =	swait.ge [sflag:s31], $0x800  }
0x64: {  	[sflag:s31] =	ssyncset.done $0x0  }
0x65: {  	[sflag:s31] =	ssyncadd.s32 $0xFFFFF800  }
0x66: {  	_ =	swait.ge [sflag:s31], $0x800  }
0x67: {  	[sflag:s31] =	ssyncset.done $0x0  }
0x68: {  	[sflag:s31] =	ssyncadd.s32 $0xFFFFF800  }
0x69: {  	_ =	swait.ge [sflag:s31], $0x800  }
0x6a: {  	[sflag:s31] =	ssyncset.done $0x0  }
0x6b: {  	[sflag:s31] =	ssyncadd.s32 $0xFFFFF800  }
0x6c: {  	_ =	swait.ge [sflag:s31], $0x800  }
0x6d: {  	[sflag:s31] =	ssyncset.done $0x0  }
0x6e: {  	[sflag:s31] =	ssyncadd.s32 $0xFFFFF800  }
0x6f: {  	_ =	swait.ge [sflag:s31], $0x800  }
0x70: {  	[sflag:s31] =	ssyncset.done $0x0  }
0x71: {  	[sflag:s31] =	ssyncadd.s32 $0xFFFFF800  }
0x72: {  	_ =	swait.ge [sflag:s31], $0x800  }
0x73: {  	[sflag:s31] =	ssyncset.done $0x0  }
0x74: {  	[sflag:s31] =	ssyncadd.s32 $0xFFFFF800  }
0x75: {  	_ =	swait.ge [sflag:s31], $0x800  }
0x76: {  	[sflag:s31] =	ssyncset.done $0x0  }
0x77: {  	[sflag:s31] =	ssyncadd.s32 $0xFFFFF800  }
0x78: {  	_ =	swait.ge [sflag:s31], $0x800  }
0x79: {  	[sflag:s31] =	ssyncset.done $0x0  }
0x7a: {  	[sflag:s31] =	ssyncadd.s32 $0xFFFFF800  }
0x7b: {  	_ =	swait.ge [sflag:s31], $0x800  }
0x7c: {  	[sflag:s31] =	ssyncset.done $0x0  }
0x7d: {  	[sflag:s31] =	ssyncadd.s32 $0xFFFFF800  }
0x7e: {  	_ =	swait.ge [sflag:s31], $0x800  }
0x7f: {  	[sflag:s31] =	ssyncset.done $0x0  }
0x80: {  	[sflag:s31] =	ssyncadd.s32 $0xFFFFF800  }
0x81: {  	_ =	swait.ge [sflag:s31], $0x800  }
0x82: {  	[sflag:s31] =	ssyncset.done $0x0  }
0x83: {  	[sflag:s31] =	ssyncadd.s32 $0xFFFFF800  }
0x84: {  	_ =	swait.ge [sflag:s31], $0x800  }
0x85: {  	[sflag:s31] =	ssyncset.done $0x0  }
0x86: {  	[sflag:s31] =	ssyncadd.s32 $0xFFFFF800  }
0x87: {  	_ =	swait.ge [sflag:s31], $0x800  }
0x88: {  	[sflag:s31] =	ssyncset.done $0x0  }
0x89: {  	[sflag:s31] =	ssyncadd.s32 $0xFFFFF800  }
0x8a: {  	_ =	swait.ge [sflag:s31], $0x800  }
0x8b: {  	[sflag:s31] =	ssyncset.done $0x0  }
0x8c: {  	[sflag:s31] =	ssyncadd.s32 $0xFFFFF800  }
0x8d: {  	_ =	swait.ge [sflag:s31], $0x800  }
0x8e: {  	[sflag:s31] =	ssyncset.done $0x0  }
0x8f: {  	[sflag:s31] =	ssyncadd.s32 $0xFFFFF800  }
0x90: {  	_ =	swait.ge [sflag:s31], $0x800  }
0x91: {  	[sflag:s31] =	ssyncset.done $0x0  }
0x92: {  	[sflag:s31] =	ssyncadd.s32 $0xFFFFF800  }
0x93: {  	_ =	swait.ge [sflag:s31], $0x800  }
0x94: {  	[sflag:s31] =	ssyncset.done $0x0  }
0x95: {  	[sflag:s31] =	ssyncadd.s32 $0xFFFFF800  }
0x96: {  	s2 =	sadd.s32 $0x1, s2;
	_ =	swait.ge [sflag:s31], $0x800  }
0x97: {  	p0 =	sne.s32 s2, s7;
	[sflag:s31] =	ssyncset.done $0x0  }
.Ltmp2:
0x98: {  	[sflag:s31] =	ssyncadd.s32 $0xFFFFF800;
	(pc) =	sbr.rel @p0 .LBB2_1-.Ltmp2, $4  }
0x99: {  	[hbm4b:s6+s3] =	stream.linear.scatter [tilespmem:s12], [sflag:$0x2], $0xA000, $0x38;
	[tilespmem:$0xB480] =	vst v63  }
0x9a: {  	_ =	swait.ge [sflag:s8], $0xA000  }
0x9b: {  	[sflag:s8] =	ssyncset.done $0x0  }
0x9c: {  	[sflag:s8] =	ssyncadd.s32 $0xFFFF6000  }
0x9d: {  	_ =	sfence.sel $0x180000  }
0x9e: {  	[bflag:$0x0] =	sbarrier.arrive $0xFFFF  }
0x9f: {  	_ =	strace $0x9000004D  }
0xa0: {  	s0 =	stileid.u32;
	[bflag:$0x2] =	sbarrier.arrive $0xFFFF  }
0xa1: {  	p0 =	sne.s32 s0, $0x0;
	s0 =	rddreg [dreg:$0x3]  }
0xa2: {  	s0 =	sadd.s32 @!p0 $0x100000, s0  }
0xa3: {  	[sflag:s0] =	ssyncadd.tile.s32 @!p0 $0x1;
	_ =	shalt  }
.Lfunc_end2:
_tile_overlayer_lowered:
.L_overlay_start_2:
0xa4: {  	(tag) =	ssettag $0x2  }
0xa5: {  	s0 =	rddreg [dreg:$0x0];
	s2 =	stileid.u32  }
0xa6: {  	s1 =	rddreg [dreg:$0x1];
	p0 =	sne.s32 s2, $0x0  }
0xa7: {  	s3 =	rddreg [dreg:$0x2];
	[bflag:$0x3] =	sbarrier.arrive $0xFFFF;
	s2 =	simm.s32 @!p0 $0x1C02  }
0xa8: {  	[timem:s3], [sflag:s2] =	dma.local @!p0 [hbm:s0], s1  }
0xa9: {  	s0 =	simm.s32 @!p0 $0x2  }
0xaa: {  	_ =	swait.ge @!p0 [sflag:s0], s1  }
0xab: {  	s1 =	ssub.s32 @!p0 $0x0, s1;
	[sflag:s0] =	ssyncset.done @!p0 $0x0  }
0xac: {  	[sflag:s0] =	ssyncadd.s32 @!p0 s1  }
0xad: {  	[bflag:$0x3] =	sbarrier.arrive $0xFFFF  }
0xae: {  	_ =	shalt  }

</sc_bundles>
